<compile_context>
chip_gen: v7x
topology: tpu7x:2x2x1
jax: 0.10.2.dev20260603
libtpu: 0.0.44.dev20260713+nightly
codegen_flags: <defaults>
</compile_context>

<pallas_src>
import functools

import jax
import jax.numpy as jnp
from jax import lax
from jax.experimental import pallas as pl
from jax.experimental.pallas import tpu as pltpu
from jax.experimental.pallas import tpu_sc as plsc

_N = 10000
_E = 320000
_D = 128

_NC = 2
_NS = 16
_NW = _NC * _NS
_EW = _E // _NW

_GC = 40
_GSUB = 5
_GBUF = _GC * _GSUB
_GITER = _EW // _GBUF
_GPAIR = _GITER // 2

_SCC = 80
_SCH = _EW // _SCC
_NP = 10240
_NPT = _NP // _NS

_sc_mesh = plsc.VectorSubcoreMesh(
    core_axis_name="c", subcore_axis_name="s",
    num_cores=_NC, num_subcores=_NS)


@functools.partial(
    pl.kernel,
    out_type=(jax.ShapeDtypeStruct((_E, _D), jnp.float32),
              jax.ShapeDtypeStruct((_E, _D), jnp.float32)),
    mesh=_sc_mesh,
    scratch_types=[
        pltpu.VMEM((_EW,), jnp.int32),
        pltpu.VMEM((_EW,), jnp.int32),
        pltpu.VMEM((_GBUF, _D), jnp.float32),
        pltpu.VMEM((_GBUF, _D), jnp.float32),
        pltpu.VMEM((_GBUF, _D), jnp.float32),
        pltpu.VMEM((_GBUF, _D), jnp.float32),
        pltpu.SemaphoreType.DMA,
        pltpu.SemaphoreType.DMA,
        pltpu.SemaphoreType.DMA,
    ],
)
def _sc_gather(p1_hbm, p2_hbm, dst_hbm, src_hbm, g1_hbm, g2_hbm,
               dst_v, src_v, b1a, b2a, b1b, b2b, semg, semwa, semwb):
    wid = lax.axis_index("s") * _NC + lax.axis_index("c")
    base = pl.multiple_of(wid * _EW, _EW)
    pltpu.sync_copy(dst_hbm.at[pl.ds(base, _EW)], dst_v)
    pltpu.sync_copy(src_hbm.at[pl.ds(base, _EW)], src_v)

    def fire(i, b1, b2):
        off = pl.multiple_of(i * _GBUF, _GBUF)
        for j in range(_GSUB):
            pltpu.async_copy(
                p1_hbm.at[dst_v.at[pl.ds(off + j * _GC, _GC)]],
                b1.at[pl.ds(j * _GC, _GC)], semg)
            pltpu.async_copy(
                p2_hbm.at[src_v.at[pl.ds(off + j * _GC, _GC)]],
                b2.at[pl.ds(j * _GC, _GC)], semg)

    def drain(b1, b2):
        for j in range(_GSUB):
            pltpu.make_async_copy(
                p1_hbm.at[pl.ds(0, _GC)], b1.at[pl.ds(j * _GC, _GC)],
                semg).wait()
            pltpu.make_async_copy(
                p2_hbm.at[pl.ds(0, _GC)], b2.at[pl.ds(j * _GC, _GC)],
                semg).wait()

    def write(i, b1, b2, semw):
        off = pl.multiple_of(i * _GBUF, _GBUF)
        pltpu.async_copy(b1, g1_hbm.at[pl.ds(base + off, _GBUF)], semw)
        pltpu.async_copy(b2, g2_hbm.at[pl.ds(base + off, _GBUF)], semw)

    def wait_write(b1, b2, semw):
        pltpu.make_async_copy(b1, g1_hbm.at[pl.ds(base, _GBUF)], semw).wait()
        pltpu.make_async_copy(b2, g2_hbm.at[pl.ds(base, _GBUF)], semw).wait()

    fire(0, b1a, b2a)

    def step(k, carry):
        b = k * 2
        drain(b1a, b2a)

        @pl.when(k > 0)
        def _():
            wait_write(b1b, b2b, semwb)

        fire(b + 1, b1b, b2b)
        write(b, b1a, b2a, semwa)
        drain(b1b, b2b)
        wait_write(b1a, b2a, semwa)

        @pl.when(k < _GPAIR - 1)
        def _():
            fire(b + 2, b1a, b2a)

        write(b + 1, b1b, b2b, semwb)
        return carry

    lax.fori_loop(0, _GPAIR, step, 0)
    wait_write(b1b, b2b, semwb)


@functools.partial(
    pl.kernel,
    out_type=jax.ShapeDtypeStruct((_NC, _NP, _D), jnp.float32),
    mesh=_sc_mesh,
    scratch_types=[
        pltpu.VMEM_SHARED((_NP, _D), jnp.float32),
        pltpu.VMEM((_SCH, _SCC), jnp.int32),
        pltpu.VMEM((_SCC, _D), jnp.float32),
        pltpu.VMEM((_SCC, _D), jnp.float32),
        pltpu.SemaphoreType.DMA,
    ],
)
def _sc_scatter(msg_hbm, dst3_hbm, zero_hbm, out_hbm, accum, dst_v, m0, m1, sem):
    cid = lax.axis_index("c")
    sid = lax.axis_index("s")
    wid = sid * _NC + cid
    pltpu.sync_copy(zero_hbm.at[pl.ds(sid * _NPT, _NPT)],
                    accum.at[pl.ds(sid * _NPT, _NPT)])
    pltpu.sync_copy(dst3_hbm.at[wid], dst_v)
    plsc.subcore_barrier()

    base = pl.multiple_of(wid * _EW, _EW)

    def load(b, buf):
        pltpu.async_copy(msg_hbm.at[pl.ds(base + b * _SCC, _SCC)], buf, sem)

    def wait_load(buf):
        pltpu.make_async_copy(msg_hbm.at[pl.ds(0, _SCC)], buf, sem).wait()

    load(0, m0)

    def step(k, carry):
        b = k * 2
        wait_load(m0)
        load(b + 1, m1)
        pltpu.sync_copy(m0, accum.at[dst_v.at[b]], add=True)
        wait_load(m1)
        load(b + 2, m0)
        pltpu.sync_copy(m1, accum.at[dst_v.at[b + 1]], add=True)
        return carry

    lax.fori_loop(0, (_SCH - 1) // 2, step, 0)
    wait_load(m0)
    pltpu.sync_copy(m0, accum.at[dst_v.at[_SCH - 1]], add=True)
    plsc.subcore_barrier()
    pltpu.sync_copy(accum.at[pl.ds(sid * _NPT, _NPT)],
                    out_hbm.at[cid].at[pl.ds(sid * _NPT, _NPT)])


def _silu(v):
    return v * jax.nn.sigmoid(v)


def _tc_node_pre(x, wab):
    def body(x_ref, w_ref, p1_ref, p2_ref):
        p12 = jnp.dot(x_ref[...], w_ref[...],
                      preferred_element_type=jnp.float32)
        p1_ref[...] = p12[:, :_D]
        p2_ref[...] = p12[:, _D:]

    return pl.pallas_call(
        body,
        out_shape=(jax.ShapeDtypeStruct((_N, _D), jnp.float32),
                   jax.ShapeDtypeStruct((_N, _D), jnp.float32)),
    )(x, wab)


_BE = 4000


def _tc_edge(ea, g1, g2, we1, wag, wm2, be1, cag, bm2):
    def body(ea_ref, g1_ref, g2_ref, we1_ref, wag_ref, wm2_ref,
             be1_ref, cag_ref, bm2_ref, msg_ref):
        t = jnp.dot(ea_ref[...], we1_ref[...],
                    preferred_element_type=jnp.float32) + be1_ref[...]
        t = _silu(t)
        tt = jnp.dot(t, wag_ref[...],
                     preferred_element_type=jnp.float32) + cag_ref[...]
        pre = g1_ref[...] + g2_ref[...] + tt[:, :_D]
        gate = jax.nn.sigmoid(tt[:, _D:])
        p = _silu(pre)
        msg_ref[...] = (jnp.dot(p, wm2_ref[...],
                                preferred_element_type=jnp.float32)
                        + bm2_ref[...]) * gate

    grid = _E // _BE
    return pl.pallas_call(
        body,
        grid=(grid,),
        in_specs=[
            pl.BlockSpec((_BE, 32), lambda i: (i, 0)),
            pl.BlockSpec((_BE, _D), lambda i: (i, 0)),
            pl.BlockSpec((_BE, _D), lambda i: (i, 0)),
            pl.BlockSpec((32, _D), lambda i: (0, 0)),
            pl.BlockSpec((_D, 2 * _D), lambda i: (0, 0)),
            pl.BlockSpec((_D, _D), lambda i: (0, 0)),
            pl.BlockSpec((1, _D), lambda i: (0, 0)),
            pl.BlockSpec((1, 2 * _D), lambda i: (0, 0)),
            pl.BlockSpec((1, _D), lambda i: (0, 0)),
        ],
        out_specs=pl.BlockSpec((_BE, _D), lambda i: (i, 0)),
        out_shape=jax.ShapeDtypeStruct((_E, _D), jnp.float32),
    )(ea, g1, g2, we1, wag, wm2, be1, cag, bm2)


def _tc_update(p0, p1, x, wu1, wu2, bu1, bu2, gamma, beta):
    def body(p0_ref, p1_ref, x_ref, wu1_ref, wu2_ref,
             bu1_ref, bu2_ref, g_ref, b_ref, o_ref):
        xv = x_ref[...]
        aggr = p0_ref[...][:_N] + p1_ref[...][:_N]
        cat = jnp.concatenate([aggr, xv], axis=1)
        u = jnp.dot(cat, wu1_ref[...],
                    preferred_element_type=jnp.float32) + bu1_ref[...]
        u = _silu(u)
        h = xv + jnp.dot(u, wu2_ref[...],
                         preferred_element_type=jnp.float32) + bu2_ref[...]
        mu = jnp.mean(h, axis=1, keepdims=True)
        hc = h - mu
        var = jnp.mean(hc * hc, axis=1, keepdims=True)
        o_ref[...] = hc * lax.rsqrt(var + 1e-5) * g_ref[...] + b_ref[...]

    return pl.pallas_call(
        body,
        out_shape=jax.ShapeDtypeStruct((_N, _D), jnp.float32),
    )(p0, p1, x, wu1, wu2, bu1, bu2, gamma, beta)


def kernel(x, edge_index, edge_attr, We1, be1, We2, be2, Wm1, bm1, Wm2, bm2,
           Wu1, bu1, Wu2, bu2, Wg, bg, ln_gamma, ln_beta):
    src = edge_index[0]
    dst = edge_index[1]

    wm1a = Wm1[:_D]
    wm1b = Wm1[_D:2 * _D]
    wm1c = Wm1[2 * _D:]
    wa = We2 @ wm1c
    wg2 = We2 @ Wg
    ca = be2 @ wm1c + bm1
    cg = be2 @ Wg + bg
    wab = jnp.concatenate([wm1a, wm1b], axis=1)
    wag = jnp.concatenate([wa, wg2], axis=1)
    cag = jnp.concatenate([ca, cg], axis=0).reshape(1, 2 * _D)

    p1, p2 = _tc_node_pre(x, wab)
    g1, g2 = _sc_gather(p1, p2, dst, src)
    msg = _tc_edge(edge_attr, g1, g2, We1, wag, Wm2,
                   be1.reshape(1, _D), cag, bm2.reshape(1, _D))
    dst3 = dst.reshape(_NW, _SCH, _SCC)
    zeros = jnp.zeros((_NP, _D), jnp.float32)
    parts = _sc_scatter(msg, dst3, zeros)
    out = _tc_update(parts[0], parts[1], x, Wu1, Wu2,
                     bu1.reshape(1, _D), bu2.reshape(1, _D),
                     ln_gamma.reshape(1, _D), ln_beta.reshape(1, _D))
    return out

# --- scband reference (transcript-rebuilt; emitter-appended) ---
"""Pipeline reference for scband-hierarchical-gnn-7275674599787 (READ-ONLY COPY).

The authoritative reference and input builder live on the scoring server;
editing this copy changes nothing except your own understanding.
"""

import jax, jax.numpy as jnp
import numpy as np

N = 10000
E = 320000
D = 128
R = 32


def silu(v):
    return v * jax.nn.sigmoid(v)


def setup_inputs(seed: int = 0) -> dict:
    key = jax.random.key(seed)
    ks = jax.random.split(key, 24)
    s = 0.02
    inp = {}
    inp['x'] = jax.random.normal(ks[0], (N, D), dtype=jnp.float32)
    inp['edge_index'] = jax.random.randint(ks[1], (2, E), 0, N, dtype=jnp.int32)
    inp['edge_attr'] = jax.random.normal(ks[2], (E, R), dtype=jnp.float32)
    # edge_embed: Linear(R->D), SiLU, Linear(D->D)
    inp['We1'] = jax.random.normal(ks[3], (R, D), dtype=jnp.float32) * s
    inp['be1'] = jnp.zeros((D,), dtype=jnp.float32)
    inp['We2'] = jax.random.normal(ks[4], (D, D), dtype=jnp.float32) * s
    inp['be2'] = jnp.zeros((D,), dtype=jnp.float32)
    # message_net: Linear(3D->D), SiLU, Linear(D->D)
    inp['Wm1'] = jax.random.normal(ks[5], (3 * D, D), dtype=jnp.float32) * s
    inp['bm1'] = jnp.zeros((D,), dtype=jnp.float32)
    inp['Wm2'] = jax.random.normal(ks[6], (D, D), dtype=jnp.float32) * s
    inp['bm2'] = jnp.zeros((D,), dtype=jnp.float32)
    # update_net: Linear(2D->D), SiLU, Linear(D->D)
    inp['Wu1'] = jax.random.normal(ks[7], (2 * D, D), dtype=jnp.float32) * s
    inp['bu1'] = jnp.zeros((D,), dtype=jnp.float32)
    inp['Wu2'] = jax.random.normal(ks[8], (D, D), dtype=jnp.float32) * s
    inp['bu2'] = jnp.zeros((D,), dtype=jnp.float32)
    # gate: Linear(D->D)
    inp['Wg'] = jax.random.normal(ks[9], (D, D), dtype=jnp.float32) * s
    inp['bg'] = jnp.zeros((D,), dtype=jnp.float32)
    # LayerNorm(D)
    inp['ln_gamma'] = jnp.ones((D,), dtype=jnp.float32)
    inp['ln_beta'] = jnp.zeros((D,), dtype=jnp.float32)
    return inp


def reference(x, edge_index, edge_attr, We1, be1, We2, be2, Wm1, bm1, Wm2, bm2, Wu1, bu1, Wu2, bu2, Wg, bg, ln_gamma, ln_beta):
    # PyG MessagePassing flow source_to_target: row=src (j), col=dst (i)
    src = edge_index[0]
    dst = edge_index[1]
    # message: edge_embed MLP
    edge_emb = silu(edge_attr @ We1 + be1) @ We2 + be2
    x_i = x[dst]
    x_j = x[src]
    msg_in = jnp.concatenate([x_i, x_j, edge_emb], axis=-1)
    msg = silu(msg_in @ Wm1 + bm1) @ Wm2 + bm2
    gate = jax.nn.sigmoid(edge_emb @ Wg + bg)
    msg = msg * gate
    # aggregate: scatter-add over destination nodes
    aggr = jnp.zeros((x.shape[0], msg.shape[-1]), dtype=msg.dtype).at[dst].add(msg)
    # update
    upd_in = jnp.concatenate([aggr, x], axis=-1)
    upd = silu(upd_in @ Wu1 + bu1) @ Wu2 + bu2
    h = x + upd
    mu = jnp.mean(h, axis=-1, keepdims=True)
    var = jnp.var(h, axis=-1, keepdims=True)
    out = (h - mu) / jnp.sqrt(var + 1e-5) * ln_gamma + ln_beta
    return out

if __name__ == "__main__":
    import jax
    _d = setup_inputs()
    print(jax.jit(kernel)(*tuple(_d.values())))

</pallas_src>

<mosaic_0001>
#map = affine_map<(d0, d1) -> (0, 0)>
#map1 = affine_map<(d0, d1) -> (0)>
module attributes {stable_mosaic.version = 14 : i64} {
  func.func @_sc_gather(%arg0: i32, %arg1: i32, %arg2: memref<10000x128xf32, #tpu.memory_space<hbm>>, %arg3: memref<10000x128xf32, #tpu.memory_space<hbm>>, %arg4: memref<320000xi32, #tpu.memory_space<hbm>>, %arg5: memref<320000xi32, #tpu.memory_space<hbm>>, %arg6: memref<320000x128xf32, #tpu.memory_space<hbm>>, %arg7: memref<320000x128xf32, #tpu.memory_space<hbm>>, %arg8: memref<10000xi32, #tpu.memory_space<vmem>>, %arg9: memref<10000xi32, #tpu.memory_space<vmem>>, %arg10: memref<200x128xf32, #tpu.memory_space<vmem>>, %arg11: memref<200x128xf32, #tpu.memory_space<vmem>>, %arg12: memref<200x128xf32, #tpu.memory_space<vmem>>, %arg13: memref<200x128xf32, #tpu.memory_space<vmem>>, %arg14: memref<!tpu.dma_semaphore, #tpu.memory_space<semaphore_mem>>, %arg15: memref<!tpu.dma_semaphore, #tpu.memory_space<semaphore_mem>>, %arg16: memref<!tpu.dma_semaphore, #tpu.memory_space<semaphore_mem>>) attributes {dimension_semantics = [#tpu.dimension_semantics<core_parallel>, #tpu.dimension_semantics<subcore_parallel>], iteration_bounds = array<i64: 2, 16>, scalar_prefetch = 0 : i64, scratch_operands = 9 : i64, tpu.core_type = #tpu.core_type<sc_vector_subcore>, window_params = [{transform_indices = #map}, {transform_indices = #map}, {transform_indices = #map1}, {transform_indices = #map1}, {transform_indices = #map}, {transform_indices = #map}]} {
    %mul3A = arith.constant 2 : i32
    %mul3A_0 = arith.muli %arg1, %mul3A : i32
    %add3A = arith.addi %mul3A_0, %arg0 : i32
    %mul3A_1 = arith.constant 10000 : i32
    %mul3A_2 = arith.muli %add3A, %mul3A_1 : i32
    %multiple_of3A = tpu.assume_multiple %mul3A_2, 10000 : i32
    "tpu.region"() ({
      %run_scoped3A = tpu.sem_alloc : memref<!tpu.dma_semaphore, #tpu.memory_space<semaphore_mem>>
      %dma_start3A_106 = tpu.memref_slice %arg4[%multiple_of3A] : memref<320000xi32, #tpu.memory_space<hbm>> -> memref<10000xi32, #tpu.memory_space<hbm>>
      %dma_start3A_107 = tpu.memref_slice %arg4[%multiple_of3A] : memref<320000xi32, #tpu.memory_space<hbm>> -> memref<10000xi32, #tpu.memory_space<hbm>>
      tpu.enqueue_dma source(%dma_start3A_107 : memref<10000xi32, #tpu.memory_space<hbm>>) target(%arg8 : memref<10000xi32, #tpu.memory_space<vmem>>) target_semaphore(%run_scoped3A : memref<!tpu.dma_semaphore, #tpu.memory_space<semaphore_mem>>)
      %dma_wait3A_108 = tpu.memref_slice %arg4[%multiple_of3A] : memref<320000xi32, #tpu.memory_space<hbm>> -> memref<10000xi32, #tpu.memory_space<hbm>>
      %dma_wait3A_109 = tpu.memref_slice %arg4[%multiple_of3A] : memref<320000xi32, #tpu.memory_space<hbm>> -> memref<10000xi32, #tpu.memory_space<hbm>>
      tpu.wait_dma2 semaphore(%run_scoped3A : memref<!tpu.dma_semaphore, #tpu.memory_space<semaphore_mem>>) src(%dma_wait3A_109 : memref<10000xi32, #tpu.memory_space<hbm>>) dst(%arg8 : memref<10000xi32, #tpu.memory_space<vmem>>)
      tpu.yield
    }) : () -> ()
    "tpu.region"() ({
      %run_scoped3A = tpu.sem_alloc : memref<!tpu.dma_semaphore, #tpu.memory_space<semaphore_mem>>
      %dma_start3A_106 = tpu.memref_slice %arg5[%multiple_of3A] : memref<320000xi32, #tpu.memory_space<hbm>> -> memref<10000xi32, #tpu.memory_space<hbm>>
      %dma_start3A_107 = tpu.memref_slice %arg5[%multiple_of3A] : memref<320000xi32, #tpu.memory_space<hbm>> -> memref<10000xi32, #tpu.memory_space<hbm>>
      tpu.enqueue_dma source(%dma_start3A_107 : memref<10000xi32, #tpu.memory_space<hbm>>) target(%arg9 : memref<10000xi32, #tpu.memory_space<vmem>>) target_semaphore(%run_scoped3A : memref<!tpu.dma_semaphore, #tpu.memory_space<semaphore_mem>>)
      %dma_wait3A_108 = tpu.memref_slice %arg5[%multiple_of3A] : memref<320000xi32, #tpu.memory_space<hbm>> -> memref<10000xi32, #tpu.memory_space<hbm>>
      %dma_wait3A_109 = tpu.memref_slice %arg5[%multiple_of3A] : memref<320000xi32, #tpu.memory_space<hbm>> -> memref<10000xi32, #tpu.memory_space<hbm>>
      tpu.wait_dma2 semaphore(%run_scoped3A : memref<!tpu.dma_semaphore, #tpu.memory_space<semaphore_mem>>) src(%dma_wait3A_109 : memref<10000xi32, #tpu.memory_space<hbm>>) dst(%arg9 : memref<10000xi32, #tpu.memory_space<vmem>>)
      tpu.yield
    }) : () -> ()
    %multiple_of3A_3 = arith.constant 0 : i32
    %multiple_of3A_4 = tpu.assume_multiple %multiple_of3A_3, 200 : i32
    %add3A_5 = arith.constant 0 : i32
    %add3A_6 = arith.addi %multiple_of3A_4, %add3A_5 : i32
    %dma_start3A = arith.constant 0 : i32
    %dma_start3A_7 = arith.constant 0 : i32
    %dma_start3A_8 = tpu.memref_slice %arg10[%dma_start3A, %dma_start3A_7] : memref<200x128xf32, #tpu.memory_space<vmem>> -> memref<40x128xf32, #tpu.memory_space<vmem>>
    %dma_start3A_9 = tpu.memref_slice %arg8[%add3A_6] : memref<10000xi32, #tpu.memory_space<vmem>> -> memref<40xi32, #tpu.memory_space<vmem>>
    %dma_start3A_10 = arith.constant 0 : i32
    %dma_start3A_11 = arith.constant 0 : i32
    %dma_start3A_12 = tpu.memref_slice %arg2[%dma_start3A_10, %dma_start3A_11] : memref<10000x128xf32, #tpu.memory_space<hbm>> -> memref<10000x128xf32, #tpu.memory_space<hbm>>
    tpu.enqueue_indirect_dma source(%dma_start3A_12 : memref<10000x128xf32, #tpu.memory_space<hbm>>) target(%dma_start3A_8 : memref<40x128xf32, #tpu.memory_space<vmem>>) offsets(%dma_start3A_9 : memref<40xi32, #tpu.memory_space<vmem>>) semaphore(%arg14 : memref<!tpu.dma_semaphore, #tpu.memory_space<semaphore_mem>>)
    %add3A_13 = arith.constant 0 : i32
    %add3A_14 = arith.addi %multiple_of3A_4, %add3A_13 : i32
    %dma_start3A_15 = arith.constant 0 : i32
    %dma_start3A_16 = arith.constant 0 : i32
    %dma_start3A_17 = tpu.memref_slice %arg11[%dma_start3A_15, %dma_start3A_16] : memref<200x128xf32, #tpu.memory_space<vmem>> -> memref<40x128xf32, #tpu.memory_space<vmem>>
    %dma_start3A_18 = tpu.memref_slice %arg9[%add3A_14] : memref<10000xi32, #tpu.memory_space<vmem>> -> memref<40xi32, #tpu.memory_space<vmem>>
    %dma_start3A_19 = arith.constant 0 : i32
    %dma_start3A_20 = arith.constant 0 : i32
    %dma_start3A_21 = tpu.memref_slice %arg3[%dma_start3A_19, %dma_start3A_20] : memref<10000x128xf32, #tpu.memory_space<hbm>> -> memref<10000x128xf32, #tpu.memory_space<hbm>>
    tpu.enqueue_indirect_dma source(%dma_start3A_21 : memref<10000x128xf32, #tpu.memory_space<hbm>>) target(%dma_start3A_17 : memref<40x128xf32, #tpu.memory_space<vmem>>) offsets(%dma_start3A_18 : memref<40xi32, #tpu.memory_space<vmem>>) semaphore(%arg14 : memref<!tpu.dma_semaphore, #tpu.memory_space<semaphore_mem>>)
    %add3A_22 = arith.constant 40 : i32
    %add3A_23 = arith.addi %multiple_of3A_4, %add3A_22 : i32
    %dma_start3A_24 = arith.constant 40 : i32
    %dma_start3A_25 = arith.constant 0 : i32
    %dma_start3A_26 = tpu.memref_slice %arg10[%dma_start3A_24, %dma_start3A_25] : memref<200x128xf32, #tpu.memory_space<vmem>> -> memref<40x128xf32, #tpu.memory_space<vmem>>
    %dma_start3A_27 = tpu.memref_slice %arg8[%add3A_23] : memref<10000xi32, #tpu.memory_space<vmem>> -> memref<40xi32, #tpu.memory_space<vmem>>
    %dma_start3A_28 = arith.constant 0 : i32
    %dma_start3A_29 = arith.constant 0 : i32
    %dma_start3A_30 = tpu.memref_slice %arg2[%dma_start3A_28, %dma_start3A_29] : memref<10000x128xf32, #tpu.memory_space<hbm>> -> memref<10000x128xf32, #tpu.memory_space<hbm>>
    tpu.enqueue_indirect_dma source(%dma_start3A_30 : memref<10000x128xf32, #tpu.memory_space<hbm>>) target(%dma_start3A_26 : memref<40x128xf32, #tpu.memory_space<vmem>>) offsets(%dma_start3A_27 : memref<40xi32, #tpu.memory_space<vmem>>) semaphore(%arg14 : memref<!tpu.dma_semaphore, #tpu.memory_space<semaphore_mem>>)
    %add3A_31 = arith.constant 40 : i32
    %add3A_32 = arith.addi %multiple_of3A_4, %add3A_31 : i32
    %dma_start3A_33 = arith.constant 40 : i32
    %dma_start3A_34 = arith.constant 0 : i32
    %dma_start3A_35 = tpu.memref_slice %arg11[%dma_start3A_33, %dma_start3A_34] : memref<200x128xf32, #tpu.memory_space<vmem>> -> memref<40x128xf32, #tpu.memory_space<vmem>>
    %dma_start3A_36 = tpu.memref_slice %arg9[%add3A_32] : memref<10000xi32, #tpu.memory_space<vmem>> -> memref<40xi32, #tpu.memory_space<vmem>>
    %dma_start3A_37 = arith.constant 0 : i32
    %dma_start3A_38 = arith.constant 0 : i32
    %dma_start3A_39 = tpu.memref_slice %arg3[%dma_start3A_37, %dma_start3A_38] : memref<10000x128xf32, #tpu.memory_space<hbm>> -> memref<10000x128xf32, #tpu.memory_space<hbm>>
    tpu.enqueue_indirect_dma source(%dma_start3A_39 : memref<10000x128xf32, #tpu.memory_space<hbm>>) target(%dma_start3A_35 : memref<40x128xf32, #tpu.memory_space<vmem>>) offsets(%dma_start3A_36 : memref<40xi32, #tpu.memory_space<vmem>>) semaphore(%arg14 : memref<!tpu.dma_semaphore, #tpu.memory_space<semaphore_mem>>)
    %add3A_40 = arith.constant 80 : i32
    %add3A_41 = arith.addi %multiple_of3A_4, %add3A_40 : i32
    %dma_start3A_42 = arith.constant 80 : i32
    %dma_start3A_43 = arith.constant 0 : i32
    %dma_start3A_44 = tpu.memref_slice %arg10[%dma_start3A_42, %dma_start3A_43] : memref<200x128xf32, #tpu.memory_space<vmem>> -> memref<40x128xf32, #tpu.memory_space<vmem>>
    %dma_start3A_45 = tpu.memref_slice %arg8[%add3A_41] : memref<10000xi32, #tpu.memory_space<vmem>> -> memref<40xi32, #tpu.memory_space<vmem>>
    %dma_start3A_46 = arith.constant 0 : i32
    %dma_start3A_47 = arith.constant 0 : i32
    %dma_start3A_48 = tpu.memref_slice %arg2[%dma_start3A_46, %dma_start3A_47] : memref<10000x128xf32, #tpu.memory_space<hbm>> -> memref<10000x128xf32, #tpu.memory_space<hbm>>
    tpu.enqueue_indirect_dma source(%dma_start3A_48 : memref<10000x128xf32, #tpu.memory_space<hbm>>) target(%dma_start3A_44 : memref<40x128xf32, #tpu.memory_space<vmem>>) offsets(%dma_start3A_45 : memref<40xi32, #tpu.memory_space<vmem>>) semaphore(%arg14 : memref<!tpu.dma_semaphore, #tpu.memory_space<semaphore_mem>>)
    %add3A_49 = arith.constant 80 : i32
    %add3A_50 = arith.addi %multiple_of3A_4, %add3A_49 : i32
    %dma_start3A_51 = arith.constant 80 : i32
    %dma_start3A_52 = arith.constant 0 : i32
    %dma_start3A_53 = tpu.memref_slice %arg11[%dma_start3A_51, %dma_start3A_52] : memref<200x128xf32, #tpu.memory_space<vmem>> -> memref<40x128xf32, #tpu.memory_space<vmem>>
    %dma_start3A_54 = tpu.memref_slice %arg9[%add3A_50] : memref<10000xi32, #tpu.memory_space<vmem>> -> memref<40xi32, #tpu.memory_space<vmem>>
    %dma_start3A_55 = arith.constant 0 : i32
    %dma_start3A_56 = arith.constant 0 : i32
    %dma_start3A_57 = tpu.memref_slice %arg3[%dma_start3A_55, %dma_start3A_56] : memref<10000x128xf32, #tpu.memory_space<hbm>> -> memref<10000x128xf32, #tpu.memory_space<hbm>>
    tpu.enqueue_indirect_dma source(%dma_start3A_57 : memref<10000x128xf32, #tpu.memory_space<hbm>>) target(%dma_start3A_53 : memref<40x128xf32, #tpu.memory_space<vmem>>) offsets(%dma_start3A_54 : memref<40xi32, #tpu.memory_space<vmem>>) semaphore(%arg14 : memref<!tpu.dma_semaphore, #tpu.memory_space<semaphore_mem>>)
    %add3A_58 = arith.constant 120 : i32
    %add3A_59 = arith.addi %multiple_of3A_4, %add3A_58 : i32
    %dma_start3A_60 = arith.constant 120 : i32
    %dma_start3A_61 = arith.constant 0 : i32
    %dma_start3A_62 = tpu.memref_slice %arg10[%dma_start3A_60, %dma_start3A_61] : memref<200x128xf32, #tpu.memory_space<vmem>> -> memref<40x128xf32, #tpu.memory_space<vmem>>
    %dma_start3A_63 = tpu.memref_slice %arg8[%add3A_59] : memref<10000xi32, #tpu.memory_space<vmem>> -> memref<40xi32, #tpu.memory_space<vmem>>
    %dma_start3A_64 = arith.constant 0 : i32
    %dma_start3A_65 = arith.constant 0 : i32
    %dma_start3A_66 = tpu.memref_slice %arg2[%dma_start3A_64, %dma_start3A_65] : memref<10000x128xf32, #tpu.memory_space<hbm>> -> memref<10000x128xf32, #tpu.memory_space<hbm>>
    tpu.enqueue_indirect_dma source(%dma_start3A_66 : memref<10000x128xf32, #tpu.memory_space<hbm>>) target(%dma_start3A_62 : memref<40x128xf32, #tpu.memory_space<vmem>>) offsets(%dma_start3A_63 : memref<40xi32, #tpu.memory_space<vmem>>) semaphore(%arg14 : memref<!tpu.dma_semaphore, #tpu.memory_space<semaphore_mem>>)
    %add3A_67 = arith.constant 120 : i32
    %add3A_68 = arith.addi %multiple_of3A_4, %add3A_67 : i32
    %dma_start3A_69 = arith.constant 120 : i32
    %dma_start3A_70 = arith.constant 0 : i32
    %dma_start3A_71 = tpu.memref_slice %arg11[%dma_start3A_69, %dma_start3A_70] : memref<200x128xf32, #tpu.memory_space<vmem>> -> memref<40x128xf32, #tpu.memory_space<vmem>>
    %dma_start3A_72 = tpu.memref_slice %arg9[%add3A_68] : memref<10000xi32, #tpu.memory_space<vmem>> -> memref<40xi32, #tpu.memory_space<vmem>>
    %dma_start3A_73 = arith.constant 0 : i32
    %dma_start3A_74 = arith.constant 0 : i32
    %dma_start3A_75 = tpu.memref_slice %arg3[%dma_start3A_73, %dma_start3A_74] : memref<10000x128xf32, #tpu.memory_space<hbm>> -> memref<10000x128xf32, #tpu.memory_space<hbm>>
    tpu.enqueue_indirect_dma source(%dma_start3A_75 : memref<10000x128xf32, #tpu.memory_space<hbm>>) target(%dma_start3A_71 : memref<40x128xf32, #tpu.memory_space<vmem>>) offsets(%dma_start3A_72 : memref<40xi32, #tpu.memory_space<vmem>>) semaphore(%arg14 : memref<!tpu.dma_semaphore, #tpu.memory_space<semaphore_mem>>)
    %add3A_76 = arith.constant 160 : i32
    %add3A_77 = arith.addi %multiple_of3A_4, %add3A_76 : i32
    %dma_start3A_78 = arith.constant 160 : i32
    %dma_start3A_79 = arith.constant 0 : i32
    %dma_start3A_80 = tpu.memref_slice %arg10[%dma_start3A_78, %dma_start3A_79] : memref<200x128xf32, #tpu.memory_space<vmem>> -> memref<40x128xf32, #tpu.memory_space<vmem>>
    %dma_start3A_81 = tpu.memref_slice %arg8[%add3A_77] : memref<10000xi32, #tpu.memory_space<vmem>> -> memref<40xi32, #tpu.memory_space<vmem>>
    %dma_start3A_82 = arith.constant 0 : i32
    %dma_start3A_83 = arith.constant 0 : i32
    %dma_start3A_84 = tpu.memref_slice %arg2[%dma_start3A_82, %dma_start3A_83] : memref<10000x128xf32, #tpu.memory_space<hbm>> -> memref<10000x128xf32, #tpu.memory_space<hbm>>
    tpu.enqueue_indirect_dma source(%dma_start3A_84 : memref<10000x128xf32, #tpu.memory_space<hbm>>) target(%dma_start3A_80 : memref<40x128xf32, #tpu.memory_space<vmem>>) offsets(%dma_start3A_81 : memref<40xi32, #tpu.memory_space<vmem>>) semaphore(%arg14 : memref<!tpu.dma_semaphore, #tpu.memory_space<semaphore_mem>>)
    %add3A_85 = arith.constant 160 : i32
    %add3A_86 = arith.addi %multiple_of3A_4, %add3A_85 : i32
    %dma_start3A_87 = arith.constant 160 : i32
    %dma_start3A_88 = arith.constant 0 : i32
    %dma_start3A_89 = tpu.memref_slice %arg11[%dma_start3A_87, %dma_start3A_88] : memref<200x128xf32, #tpu.memory_space<vmem>> -> memref<40x128xf32, #tpu.memory_space<vmem>>
    %dma_start3A_90 = tpu.memref_slice %arg9[%add3A_86] : memref<10000xi32, #tpu.memory_space<vmem>> -> memref<40xi32, #tpu.memory_space<vmem>>
    %dma_start3A_91 = arith.constant 0 : i32
    %dma_start3A_92 = arith.constant 0 : i32
    %dma_start3A_93 = tpu.memref_slice %arg3[%dma_start3A_91, %dma_start3A_92] : memref<10000x128xf32, #tpu.memory_space<hbm>> -> memref<10000x128xf32, #tpu.memory_space<hbm>>
    tpu.enqueue_indirect_dma source(%dma_start3A_93 : memref<10000x128xf32, #tpu.memory_space<hbm>>) target(%dma_start3A_89 : memref<40x128xf32, #tpu.memory_space<vmem>>) offsets(%dma_start3A_90 : memref<40xi32, #tpu.memory_space<vmem>>) semaphore(%arg14 : memref<!tpu.dma_semaphore, #tpu.memory_space<semaphore_mem>>)
    %scan3A = arith.constant 0 : i32
    %scan3A_94 = arith.constant 0 : i32
    %scan3A_95 = arith.constant 25 : i32
    %scan3A_96 = arith.addi %scan3A_94, %scan3A_95 : i32
    %scan3A_97 = arith.constant 1 : i32
    scf.for %scan3A_106 = %scan3A_94 to %scan3A_96 step %scan3A_97  : i32 {
      %mul3A_107 = arith.constant 2 : i32
      %mul3A_108 = arith.muli %scan3A_106, %mul3A_107 : i32
      %dma_wait3A_109 = arith.constant 0 : i32
      %dma_wait3A_110 = arith.constant 0 : i32
      %dma_wait3A_111 = tpu.memref_slice %arg10[%dma_wait3A_109, %dma_wait3A_110] : memref<200x128xf32, #tpu.memory_space<vmem>> -> memref<40x128xf32, #tpu.memory_space<vmem>>
      %dma_wait3A_112 = arith.constant 0 : i32
      %dma_wait3A_113 = arith.constant 0 : i32
      %dma_wait3A_114 = tpu.memref_slice %arg2[%dma_wait3A_112, %dma_wait3A_113] : memref<10000x128xf32, #tpu.memory_space<hbm>> -> memref<40x128xf32, #tpu.memory_space<hbm>>
      %dma_wait3A_115 = arith.constant 0 : i32
      %dma_wait3A_116 = arith.constant 0 : i32
      %dma_wait3A_117 = tpu.memref_slice %arg10[%dma_wait3A_115, %dma_wait3A_116] : memref<200x128xf32, #tpu.memory_space<vmem>> -> memref<40x128xf32, #tpu.memory_space<vmem>>
      %dma_wait3A_118 = arith.constant 0 : i32
      %dma_wait3A_119 = arith.constant 0 : i32
      %dma_wait3A_120 = tpu.memref_slice %arg2[%dma_wait3A_118, %dma_wait3A_119] : memref<10000x128xf32, #tpu.memory_space<hbm>> -> memref<40x128xf32, #tpu.memory_space<hbm>>
      tpu.wait_dma2 semaphore(%arg14 : memref<!tpu.dma_semaphore, #tpu.memory_space<semaphore_mem>>) src(%dma_wait3A_120 : memref<40x128xf32, #tpu.memory_space<hbm>>) dst(%dma_wait3A_117 : memref<40x128xf32, #tpu.memory_space<vmem>>)
      %dma_wait3A_121 = arith.constant 0 : i32
      %dma_wait3A_122 = arith.constant 0 : i32
      %dma_wait3A_123 = tpu.memref_slice %arg11[%dma_wait3A_121, %dma_wait3A_122] : memref<200x128xf32, #tpu.memory_space<vmem>> -> memref<40x128xf32, #tpu.memory_space<vmem>>
      %dma_wait3A_124 = arith.constant 0 : i32
      %dma_wait3A_125 = arith.constant 0 : i32
      %dma_wait3A_126 = tpu.memref_slice %arg3[%dma_wait3A_124, %dma_wait3A_125] : memref<10000x128xf32, #tpu.memory_space<hbm>> -> memref<40x128xf32, #tpu.memory_space<hbm>>
      %dma_wait3A_127 = arith.constant 0 : i32
      %dma_wait3A_128 = arith.constant 0 : i32
      %dma_wait3A_129 = tpu.memref_slice %arg11[%dma_wait3A_127, %dma_wait3A_128] : memref<200x128xf32, #tpu.memory_space<vmem>> -> memref<40x128xf32, #tpu.memory_space<vmem>>
      %dma_wait3A_130 = arith.constant 0 : i32
      %dma_wait3A_131 = arith.constant 0 : i32
      %dma_wait3A_132 = tpu.memref_slice %arg3[%dma_wait3A_130, %dma_wait3A_131] : memref<10000x128xf32, #tpu.memory_space<hbm>> -> memref<40x128xf32, #tpu.memory_space<hbm>>
      tpu.wait_dma2 semaphore(%arg14 : memref<!tpu.dma_semaphore, #tpu.memory_space<semaphore_mem>>) src(%dma_wait3A_132 : memref<40x128xf32, #tpu.memory_space<hbm>>) dst(%dma_wait3A_129 : memref<40x128xf32, #tpu.memory_space<vmem>>)
      %dma_wait3A_133 = arith.constant 40 : i32
      %dma_wait3A_134 = arith.constant 0 : i32
      %dma_wait3A_135 = tpu.memref_slice %arg10[%dma_wait3A_133, %dma_wait3A_134] : memref<200x128xf32, #tpu.memory_space<vmem>> -> memref<40x128xf32, #tpu.memory_space<vmem>>
      %dma_wait3A_136 = arith.constant 0 : i32
      %dma_wait3A_137 = arith.constant 0 : i32
      %dma_wait3A_138 = tpu.memref_slice %arg2[%dma_wait3A_136, %dma_wait3A_137] : memref<10000x128xf32, #tpu.memory_space<hbm>> -> memref<40x128xf32, #tpu.memory_space<hbm>>
      %dma_wait3A_139 = arith.constant 40 : i32
      %dma_wait3A_140 = arith.constant 0 : i32
      %dma_wait3A_141 = tpu.memref_slice %arg10[%dma_wait3A_139, %dma_wait3A_140] : memref<200x128xf32, #tpu.memory_space<vmem>> -> memref<40x128xf32, #tpu.memory_space<vmem>>
      %dma_wait3A_142 = arith.constant 0 : i32
      %dma_wait3A_143 = arith.constant 0 : i32
      %dma_wait3A_144 = tpu.memref_slice %arg2[%dma_wait3A_142, %dma_wait3A_143] : memref<10000x128xf32, #tpu.memory_space<hbm>> -> memref<40x128xf32, #tpu.memory_space<hbm>>
      tpu.wait_dma2 semaphore(%arg14 : memref<!tpu.dma_semaphore, #tpu.memory_space<semaphore_mem>>) src(%dma_wait3A_144 : memref<40x128xf32, #tpu.memory_space<hbm>>) dst(%dma_wait3A_141 : memref<40x128xf32, #tpu.memory_space<vmem>>)
      %dma_wait3A_145 = arith.constant 40 : i32
      %dma_wait3A_146 = arith.constant 0 : i32
      %dma_wait3A_147 = tpu.memref_slice %arg11[%dma_wait3A_145, %dma_wait3A_146] : memref<200x128xf32, #tpu.memory_space<vmem>> -> memref<40x128xf32, #tpu.memory_space<vmem>>
      %dma_wait3A_148 = arith.constant 0 : i32
      %dma_wait3A_149 = arith.constant 0 : i32
      %dma_wait3A_150 = tpu.memref_slice %arg3[%dma_wait3A_148, %dma_wait3A_149] : memref<10000x128xf32, #tpu.memory_space<hbm>> -> memref<40x128xf32, #tpu.memory_space<hbm>>
      %dma_wait3A_151 = arith.constant 40 : i32
      %dma_wait3A_152 = arith.constant 0 : i32
      %dma_wait3A_153 = tpu.memref_slice %arg11[%dma_wait3A_151, %dma_wait3A_152] : memref<200x128xf32, #tpu.memory_space<vmem>> -> memref<40x128xf32, #tpu.memory_space<vmem>>
      %dma_wait3A_154 = arith.constant 0 : i32
      %dma_wait3A_155 = arith.constant 0 : i32
      %dma_wait3A_156 = tpu.memref_slice %arg3[%dma_wait3A_154, %dma_wait3A_155] : memref<10000x128xf32, #tpu.memory_space<hbm>> -> memref<40x128xf32, #tpu.memory_space<hbm>>
      tpu.wait_dma2 semaphore(%arg14 : memref<!tpu.dma_semaphore, #tpu.memory_space<semaphore_mem>>) src(%dma_wait3A_156 : memref<40x128xf32, #tpu.memory_space<hbm>>) dst(%dma_wait3A_153 : memref<40x128xf32, #tpu.memory_space<vmem>>)
      %dma_wait3A_157 = arith.constant 80 : i32
      %dma_wait3A_158 = arith.constant 0 : i32
      %dma_wait3A_159 = tpu.memref_slice %arg10[%dma_wait3A_157, %dma_wait3A_158] : memref<200x128xf32, #tpu.memory_space<vmem>> -> memref<40x128xf32, #tpu.memory_space<vmem>>
      %dma_wait3A_160 = arith.constant 0 : i32
      %dma_wait3A_161 = arith.constant 0 : i32
      %dma_wait3A_162 = tpu.memref_slice %arg2[%dma_wait3A_160, %dma_wait3A_161] : memref<10000x128xf32, #tpu.memory_space<hbm>> -> memref<40x128xf32, #tpu.memory_space<hbm>>
      %dma_wait3A_163 = arith.constant 80 : i32
      %dma_wait3A_164 = arith.constant 0 : i32
      %dma_wait3A_165 = tpu.memref_slice %arg10[%dma_wait3A_163, %dma_wait3A_164] : memref<200x128xf32, #tpu.memory_space<vmem>> -> memref<40x128xf32, #tpu.memory_space<vmem>>
      %dma_wait3A_166 = arith.constant 0 : i32
      %dma_wait3A_167 = arith.constant 0 : i32
      %dma_wait3A_168 = tpu.memref_slice %arg2[%dma_wait3A_166, %dma_wait3A_167] : memref<10000x128xf32, #tpu.memory_space<hbm>> -> memref<40x128xf32, #tpu.memory_space<hbm>>
      tpu.wait_dma2 semaphore(%arg14 : memref<!tpu.dma_semaphore, #tpu.memory_space<semaphore_mem>>) src(%dma_wait3A_168 : memref<40x128xf32, #tpu.memory_space<hbm>>) dst(%dma_wait3A_165 : memref<40x128xf32, #tpu.memory_space<vmem>>)
      %dma_wait3A_169 = arith.constant 80 : i32
      %dma_wait3A_170 = arith.constant 0 : i32
      %dma_wait3A_171 = tpu.memref_slice %arg11[%dma_wait3A_169, %dma_wait3A_170] : memref<200x128xf32, #tpu.memory_space<vmem>> -> memref<40x128xf32, #tpu.memory_space<vmem>>
      %dma_wait3A_172 = arith.constant 0 : i32
      %dma_wait3A_173 = arith.constant 0 : i32
      %dma_wait3A_174 = tpu.memref_slice %arg3[%dma_wait3A_172, %dma_wait3A_173] : memref<10000x128xf32, #tpu.memory_space<hbm>> -> memref<40x128xf32, #tpu.memory_space<hbm>>
      %dma_wait3A_175 = arith.constant 80 : i32
      %dma_wait3A_176 = arith.constant 0 : i32
      %dma_wait3A_177 = tpu.memref_slice %arg11[%dma_wait3A_175, %dma_wait3A_176] : memref<200x128xf32, #tpu.memory_space<vmem>> -> memref<40x128xf32, #tpu.memory_space<vmem>>
      %dma_wait3A_178 = arith.constant 0 : i32
      %dma_wait3A_179 = arith.constant 0 : i32
      %dma_wait3A_180 = tpu.memref_slice %arg3[%dma_wait3A_178, %dma_wait3A_179] : memref<10000x128xf32, #tpu.memory_space<hbm>> -> memref<40x128xf32, #tpu.memory_space<hbm>>
      tpu.wait_dma2 semaphore(%arg14 : memref<!tpu.dma_semaphore, #tpu.memory_space<semaphore_mem>>) src(%dma_wait3A_180 : memref<40x128xf32, #tpu.memory_space<hbm>>) dst(%dma_wait3A_177 : memref<40x128xf32, #tpu.memory_space<vmem>>)
      %dma_wait3A_181 = arith.constant 120 : i32
      %dma_wait3A_182 = arith.constant 0 : i32
      %dma_wait3A_183 = tpu.memref_slice %arg10[%dma_wait3A_181, %dma_wait3A_182] : memref<200x128xf32, #tpu.memory_space<vmem>> -> memref<40x128xf32, #tpu.memory_space<vmem>>
      %dma_wait3A_184 = arith.constant 0 : i32
      %dma_wait3A_185 = arith.constant 0 : i32
      %dma_wait3A_186 = tpu.memref_slice %arg2[%dma_wait3A_184, %dma_wait3A_185] : memref<10000x128xf32, #tpu.memory_space<hbm>> -> memref<40x128xf32, #tpu.memory_space<hbm>>
      %dma_wait3A_187 = arith.constant 120 : i32
      %dma_wait3A_188 = arith.constant 0 : i32
      %dma_wait3A_189 = tpu.memref_slice %arg10[%dma_wait3A_187, %dma_wait3A_188] : memref<200x128xf32, #tpu.memory_space<vmem>> -> memref<40x128xf32, #tpu.memory_space<vmem>>
      %dma_wait3A_190 = arith.constant 0 : i32
      %dma_wait3A_191 = arith.constant 0 : i32
      %dma_wait3A_192 = tpu.memref_slice %arg2[%dma_wait3A_190, %dma_wait3A_191] : memref<10000x128xf32, #tpu.memory_space<hbm>> -> memref<40x128xf32, #tpu.memory_space<hbm>>
      tpu.wait_dma2 semaphore(%arg14 : memref<!tpu.dma_semaphore, #tpu.memory_space<semaphore_mem>>) src(%dma_wait3A_192 : memref<40x128xf32, #tpu.memory_space<hbm>>) dst(%dma_wait3A_189 : memref<40x128xf32, #tpu.memory_space<vmem>>)
      %dma_wait3A_193 = arith.constant 120 : i32
      %dma_wait3A_194 = arith.constant 0 : i32
      %dma_wait3A_195 = tpu.memref_slice %arg11[%dma_wait3A_193, %dma_wait3A_194] : memref<200x128xf32, #tpu.memory_space<vmem>> -> memref<40x128xf32, #tpu.memory_space<vmem>>
      %dma_wait3A_196 = arith.constant 0 : i32
      %dma_wait3A_197 = arith.constant 0 : i32
      %dma_wait3A_198 = tpu.memref_slice %arg3[%dma_wait3A_196, %dma_wait3A_197] : memref<10000x128xf32, #tpu.memory_space<hbm>> -> memref<40x128xf32, #tpu.memory_space<hbm>>
      %dma_wait3A_199 = arith.constant 120 : i32
      %dma_wait3A_200 = arith.constant 0 : i32
      %dma_wait3A_201 = tpu.memref_slice %arg11[%dma_wait3A_199, %dma_wait3A_200] : memref<200x128xf32, #tpu.memory_space<vmem>> -> memref<40x128xf32, #tpu.memory_space<vmem>>
      %dma_wait3A_202 = arith.constant 0 : i32
      %dma_wait3A_203 = arith.constant 0 : i32
      %dma_wait3A_204 = tpu.memref_slice %arg3[%dma_wait3A_202, %dma_wait3A_203] : memref<10000x128xf32, #tpu.memory_space<hbm>> -> memref<40x128xf32, #tpu.memory_space<hbm>>
      tpu.wait_dma2 semaphore(%arg14 : memref<!tpu.dma_semaphore, #tpu.memory_space<semaphore_mem>>) src(%dma_wait3A_204 : memref<40x128xf32, #tpu.memory_space<hbm>>) dst(%dma_wait3A_201 : memref<40x128xf32, #tpu.memory_space<vmem>>)
      %dma_wait3A_205 = arith.constant 160 : i32
      %dma_wait3A_206 = arith.constant 0 : i32
      %dma_wait3A_207 = tpu.memref_slice %arg10[%dma_wait3A_205, %dma_wait3A_206] : memref<200x128xf32, #tpu.memory_space<vmem>> -> memref<40x128xf32, #tpu.memory_space<vmem>>
      %dma_wait3A_208 = arith.constant 0 : i32
      %dma_wait3A_209 = arith.constant 0 : i32
      %dma_wait3A_210 = tpu.memref_slice %arg2[%dma_wait3A_208, %dma_wait3A_209] : memref<10000x128xf32, #tpu.memory_space<hbm>> -> memref<40x128xf32, #tpu.memory_space<hbm>>
      %dma_wait3A_211 = arith.constant 160 : i32
      %dma_wait3A_212 = arith.constant 0 : i32
      %dma_wait3A_213 = tpu.memref_slice %arg10[%dma_wait3A_211, %dma_wait3A_212] : memref<200x128xf32, #tpu.memory_space<vmem>> -> memref<40x128xf32, #tpu.memory_space<vmem>>
      %dma_wait3A_214 = arith.constant 0 : i32
      %dma_wait3A_215 = arith.constant 0 : i32
      %dma_wait3A_216 = tpu.memref_slice %arg2[%dma_wait3A_214, %dma_wait3A_215] : memref<10000x128xf32, #tpu.memory_space<hbm>> -> memref<40x128xf32, #tpu.memory_space<hbm>>
      tpu.wait_dma2 semaphore(%arg14 : memref<!tpu.dma_semaphore, #tpu.memory_space<semaphore_mem>>) src(%dma_wait3A_216 : memref<40x128xf32, #tpu.memory_space<hbm>>) dst(%dma_wait3A_213 : memref<40x128xf32, #tpu.memory_space<vmem>>)
      %dma_wait3A_217 = arith.constant 160 : i32
      %dma_wait3A_218 = arith.constant 0 : i32
      %dma_wait3A_219 = tpu.memref_slice %arg11[%dma_wait3A_217, %dma_wait3A_218] : memref<200x128xf32, #tpu.memory_space<vmem>> -> memref<40x128xf32, #tpu.memory_space<vmem>>
      %dma_wait3A_220 = arith.constant 0 : i32
      %dma_wait3A_221 = arith.constant 0 : i32
      %dma_wait3A_222 = tpu.memref_slice %arg3[%dma_wait3A_220, %dma_wait3A_221] : memref<10000x128xf32, #tpu.memory_space<hbm>> -> memref<40x128xf32, #tpu.memory_space<hbm>>
      %dma_wait3A_223 = arith.constant 160 : i32
      %dma_wait3A_224 = arith.constant 0 : i32
      %dma_wait3A_225 = tpu.memref_slice %arg11[%dma_wait3A_223, %dma_wait3A_224] : memref<200x128xf32, #tpu.memory_space<vmem>> -> memref<40x128xf32, #tpu.memory_space<vmem>>
      %dma_wait3A_226 = arith.constant 0 : i32
      %dma_wait3A_227 = arith.constant 0 : i32
      %dma_wait3A_228 = tpu.memref_slice %arg3[%dma_wait3A_226, %dma_wait3A_227] : memref<10000x128xf32, #tpu.memory_space<hbm>> -> memref<40x128xf32, #tpu.memory_space<hbm>>
      tpu.wait_dma2 semaphore(%arg14 : memref<!tpu.dma_semaphore, #tpu.memory_space<semaphore_mem>>) src(%dma_wait3A_228 : memref<40x128xf32, #tpu.memory_space<hbm>>) dst(%dma_wait3A_225 : memref<40x128xf32, #tpu.memory_space<vmem>>)
      %gt3A = arith.constant 0 : i32
      %gt3A_229 = arith.cmpi sgt, %scan3A_106, %gt3A : i32
      %convert_element_type3A = arith.extui %gt3A_229 : i1 to i32
      %cond3A = arith.constant 0 : i32
      %cond3A_230 = arith.cmpi ne, %convert_element_type3A, %cond3A : i32
      scf.if %cond3A_230 {
        %dma_wait3A_486 = arith.constant 0 : i32
        %dma_wait3A_487 = tpu.memref_slice %arg6[%multiple_of3A, %dma_wait3A_486] : memref<320000x128xf32, #tpu.memory_space<hbm>> -> memref<200x128xf32, #tpu.memory_space<hbm>>
        %dma_wait3A_488 = arith.constant 0 : i32
        %dma_wait3A_489 = tpu.memref_slice %arg6[%multiple_of3A, %dma_wait3A_488] : memref<320000x128xf32, #tpu.memory_space<hbm>> -> memref<200x128xf32, #tpu.memory_space<hbm>>
        tpu.wait_dma2 semaphore(%arg16 : memref<!tpu.dma_semaphore, #tpu.memory_space<semaphore_mem>>) src(%arg12 : memref<200x128xf32, #tpu.memory_space<vmem>>) dst(%dma_wait3A_489 : memref<200x128xf32, #tpu.memory_space<hbm>>)
        %dma_wait3A_490 = arith.constant 0 : i32
        %dma_wait3A_491 = tpu.memref_slice %arg7[%multiple_of3A, %dma_wait3A_490] : memref<320000x128xf32, #tpu.memory_space<hbm>> -> memref<200x128xf32, #tpu.memory_space<hbm>>
        %dma_wait3A_492 = arith.constant 0 : i32
        %dma_wait3A_493 = tpu.memref_slice %arg7[%multiple_of3A, %dma_wait3A_492] : memref<320000x128xf32, #tpu.memory_space<hbm>> -> memref<200x128xf32, #tpu.memory_space<hbm>>
        tpu.wait_dma2 semaphore(%arg16 : memref<!tpu.dma_semaphore, #tpu.memory_space<semaphore_mem>>) src(%arg13 : memref<200x128xf32, #tpu.memory_space<vmem>>) dst(%dma_wait3A_493 : memref<200x128xf32, #tpu.memory_space<hbm>>)
      } else {
      }
      %add3A_231 = arith.constant 1 : i32
      %add3A_232 = arith.addi %mul3A_108, %add3A_231 : i32
      %mul3A_233 = arith.constant 200 : i32
      %mul3A_234 = arith.muli %add3A_232, %mul3A_233 : i32
      %multiple_of3A_235 = tpu.assume_multiple %mul3A_234, 200 : i32
      %add3A_236 = arith.constant 0 : i32
      %add3A_237 = arith.addi %multiple_of3A_235, %add3A_236 : i32
      %dma_start3A_238 = arith.constant 0 : i32
      %dma_start3A_239 = arith.constant 0 : i32
      %dma_start3A_240 = tpu.memref_slice %arg12[%dma_start3A_238, %dma_start3A_239] : memref<200x128xf32, #tpu.memory_space<vmem>> -> memref<40x128xf32, #tpu.memory_space<vmem>>
      %dma_start3A_241 = tpu.memref_slice %arg8[%add3A_237] : memref<10000xi32, #tpu.memory_space<vmem>> -> memref<40xi32, #tpu.memory_space<vmem>>
      %dma_start3A_242 = arith.constant 0 : i32
      %dma_start3A_243 = arith.constant 0 : i32
      %dma_start3A_244 = tpu.memref_slice %arg2[%dma_start3A_242, %dma_start3A_243] : memref<10000x128xf32, #tpu.memory_space<hbm>> -> memref<10000x128xf32, #tpu.memory_space<hbm>>
      tpu.enqueue_indirect_dma source(%dma_start3A_244 : memref<10000x128xf32, #tpu.memory_space<hbm>>) target(%dma_start3A_240 : memref<40x128xf32, #tpu.memory_space<vmem>>) offsets(%dma_start3A_241 : memref<40xi32, #tpu.memory_space<vmem>>) semaphore(%arg14 : memref<!tpu.dma_semaphore, #tpu.memory_space<semaphore_mem>>)
      %add3A_245 = arith.constant 0 : i32
      %add3A_246 = arith.addi %multiple_of3A_235, %add3A_245 : i32
      %dma_start3A_247 = arith.constant 0 : i32
      %dma_start3A_248 = arith.constant 0 : i32
      %dma_start3A_249 = tpu.memref_slice %arg13[%dma_start3A_247, %dma_start3A_248] : memref<200x128xf32, #tpu.memory_space<vmem>> -> memref<40x128xf32, #tpu.memory_space<vmem>>
      %dma_start3A_250 = tpu.memref_slice %arg9[%add3A_246] : memref<10000xi32, #tpu.memory_space<vmem>> -> memref<40xi32, #tpu.memory_space<vmem>>
      %dma_start3A_251 = arith.constant 0 : i32
      %dma_start3A_252 = arith.constant 0 : i32
      %dma_start3A_253 = tpu.memref_slice %arg3[%dma_start3A_251, %dma_start3A_252] : memref<10000x128xf32, #tpu.memory_space<hbm>> -> memref<10000x128xf32, #tpu.memory_space<hbm>>
      tpu.enqueue_indirect_dma source(%dma_start3A_253 : memref<10000x128xf32, #tpu.memory_space<hbm>>) target(%dma_start3A_249 : memref<40x128xf32, #tpu.memory_space<vmem>>) offsets(%dma_start3A_250 : memref<40xi32, #tpu.memory_space<vmem>>) semaphore(%arg14 : memref<!tpu.dma_semaphore, #tpu.memory_space<semaphore_mem>>)
      %add3A_254 = arith.constant 40 : i32
      %add3A_255 = arith.addi %multiple_of3A_235, %add3A_254 : i32
      %dma_start3A_256 = arith.constant 40 : i32
      %dma_start3A_257 = arith.constant 0 : i32
      %dma_start3A_258 = tpu.memref_slice %arg12[%dma_start3A_256, %dma_start3A_257] : memref<200x128xf32, #tpu.memory_space<vmem>> -> memref<40x128xf32, #tpu.memory_space<vmem>>
      %dma_start3A_259 = tpu.memref_slice %arg8[%add3A_255] : memref<10000xi32, #tpu.memory_space<vmem>> -> memref<40xi32, #tpu.memory_space<vmem>>
      %dma_start3A_260 = arith.constant 0 : i32
      %dma_start3A_261 = arith.constant 0 : i32
      %dma_start3A_262 = tpu.memref_slice %arg2[%dma_start3A_260, %dma_start3A_261] : memref<10000x128xf32, #tpu.memory_space<hbm>> -> memref<10000x128xf32, #tpu.memory_space<hbm>>
      tpu.enqueue_indirect_dma source(%dma_start3A_262 : memref<10000x128xf32, #tpu.memory_space<hbm>>) target(%dma_start3A_258 : memref<40x128xf32, #tpu.memory_space<vmem>>) offsets(%dma_start3A_259 : memref<40xi32, #tpu.memory_space<vmem>>) semaphore(%arg14 : memref<!tpu.dma_semaphore, #tpu.memory_space<semaphore_mem>>)
      %add3A_263 = arith.constant 40 : i32
      %add3A_264 = arith.addi %multiple_of3A_235, %add3A_263 : i32
      %dma_start3A_265 = arith.constant 40 : i32
      %dma_start3A_266 = arith.constant 0 : i32
      %dma_start3A_267 = tpu.memref_slice %arg13[%dma_start3A_265, %dma_start3A_266] : memref<200x128xf32, #tpu.memory_space<vmem>> -> memref<40x128xf32, #tpu.memory_space<vmem>>
      %dma_start3A_268 = tpu.memref_slice %arg9[%add3A_264] : memref<10000xi32, #tpu.memory_space<vmem>> -> memref<40xi32, #tpu.memory_space<vmem>>
      %dma_start3A_269 = arith.constant 0 : i32
      %dma_start3A_270 = arith.constant 0 : i32
      %dma_start3A_271 = tpu.memref_slice %arg3[%dma_start3A_269, %dma_start3A_270] : memref<10000x128xf32, #tpu.memory_space<hbm>> -> memref<10000x128xf32, #tpu.memory_space<hbm>>
      tpu.enqueue_indirect_dma source(%dma_start3A_271 : memref<10000x128xf32, #tpu.memory_space<hbm>>) target(%dma_start3A_267 : memref<40x128xf32, #tpu.memory_space<vmem>>) offsets(%dma_start3A_268 : memref<40xi32, #tpu.memory_space<vmem>>) semaphore(%arg14 : memref<!tpu.dma_semaphore, #tpu.memory_space<semaphore_mem>>)
      %add3A_272 = arith.constant 80 : i32
      %add3A_273 = arith.addi %multiple_of3A_235, %add3A_272 : i32
      %dma_start3A_274 = arith.constant 80 : i32
      %dma_start3A_275 = arith.constant 0 : i32
      %dma_start3A_276 = tpu.memref_slice %arg12[%dma_start3A_274, %dma_start3A_275] : memref<200x128xf32, #tpu.memory_space<vmem>> -> memref<40x128xf32, #tpu.memory_space<vmem>>
      %dma_start3A_277 = tpu.memref_slice %arg8[%add3A_273] : memref<10000xi32, #tpu.memory_space<vmem>> -> memref<40xi32, #tpu.memory_space<vmem>>
      %dma_start3A_278 = arith.constant 0 : i32
      %dma_start3A_279 = arith.constant 0 : i32
      %dma_start3A_280 = tpu.memref_slice %arg2[%dma_start3A_278, %dma_start3A_279] : memref<10000x128xf32, #tpu.memory_space<hbm>> -> memref<10000x128xf32, #tpu.memory_space<hbm>>
      tpu.enqueue_indirect_dma source(%dma_start3A_280 : memref<10000x128xf32, #tpu.memory_space<hbm>>) target(%dma_start3A_276 : memref<40x128xf32, #tpu.memory_space<vmem>>) offsets(%dma_start3A_277 : memref<40xi32, #tpu.memory_space<vmem>>) semaphore(%arg14 : memref<!tpu.dma_semaphore, #tpu.memory_space<semaphore_mem>>)
      %add3A_281 = arith.constant 80 : i32
      %add3A_282 = arith.addi %multiple_of3A_235, %add3A_281 : i32
      %dma_start3A_283 = arith.constant 80 : i32
      %dma_start3A_284 = arith.constant 0 : i32
      %dma_start3A_285 = tpu.memref_slice %arg13[%dma_start3A_283, %dma_start3A_284] : memref<200x128xf32, #tpu.memory_space<vmem>> -> memref<40x128xf32, #tpu.memory_space<vmem>>
      %dma_start3A_286 = tpu.memref_slice %arg9[%add3A_282] : memref<10000xi32, #tpu.memory_space<vmem>> -> memref<40xi32, #tpu.memory_space<vmem>>
      %dma_start3A_287 = arith.constant 0 : i32
      %dma_start3A_288 = arith.constant 0 : i32
      %dma_start3A_289 = tpu.memref_slice %arg3[%dma_start3A_287, %dma_start3A_288] : memref<10000x128xf32, #tpu.memory_space<hbm>> -> memref<10000x128xf32, #tpu.memory_space<hbm>>
      tpu.enqueue_indirect_dma source(%dma_start3A_289 : memref<10000x128xf32, #tpu.memory_space<hbm>>) target(%dma_start3A_285 : memref<40x128xf32, #tpu.memory_space<vmem>>) offsets(%dma_start3A_286 : memref<40xi32, #tpu.memory_space<vmem>>) semaphore(%arg14 : memref<!tpu.dma_semaphore, #tpu.memory_space<semaphore_mem>>)
      %add3A_290 = arith.constant 120 : i32
      %add3A_291 = arith.addi %multiple_of3A_235, %add3A_290 : i32
      %dma_start3A_292 = arith.constant 120 : i32
      %dma_start3A_293 = arith.constant 0 : i32
      %dma_start3A_294 = tpu.memref_slice %arg12[%dma_start3A_292, %dma_start3A_293] : memref<200x128xf32, #tpu.memory_space<vmem>> -> memref<40x128xf32, #tpu.memory_space<vmem>>
      %dma_start3A_295 = tpu.memref_slice %arg8[%add3A_291] : memref<10000xi32, #tpu.memory_space<vmem>> -> memref<40xi32, #tpu.memory_space<vmem>>
      %dma_start3A_296 = arith.constant 0 : i32
      %dma_start3A_297 = arith.constant 0 : i32
      %dma_start3A_298 = tpu.memref_slice %arg2[%dma_start3A_296, %dma_start3A_297] : memref<10000x128xf32, #tpu.memory_space<hbm>> -> memref<10000x128xf32, #tpu.memory_space<hbm>>
      tpu.enqueue_indirect_dma source(%dma_start3A_298 : memref<10000x128xf32, #tpu.memory_space<hbm>>) target(%dma_start3A_294 : memref<40x128xf32, #tpu.memory_space<vmem>>) offsets(%dma_start3A_295 : memref<40xi32, #tpu.memory_space<vmem>>) semaphore(%arg14 : memref<!tpu.dma_semaphore, #tpu.memory_space<semaphore_mem>>)
      %add3A_299 = arith.constant 120 : i32
      %add3A_300 = arith.addi %multiple_of3A_235, %add3A_299 : i32
      %dma_start3A_301 = arith.constant 120 : i32
      %dma_start3A_302 = arith.constant 0 : i32
      %dma_start3A_303 = tpu.memref_slice %arg13[%dma_start3A_301, %dma_start3A_302] : memref<200x128xf32, #tpu.memory_space<vmem>> -> memref<40x128xf32, #tpu.memory_space<vmem>>
      %dma_start3A_304 = tpu.memref_slice %arg9[%add3A_300] : memref<10000xi32, #tpu.memory_space<vmem>> -> memref<40xi32, #tpu.memory_space<vmem>>
      %dma_start3A_305 = arith.constant 0 : i32
      %dma_start3A_306 = arith.constant 0 : i32
      %dma_start3A_307 = tpu.memref_slice %arg3[%dma_start3A_305, %dma_start3A_306] : memref<10000x128xf32, #tpu.memory_space<hbm>> -> memref<10000x128xf32, #tpu.memory_space<hbm>>
      tpu.enqueue_indirect_dma source(%dma_start3A_307 : memref<10000x128xf32, #tpu.memory_space<hbm>>) target(%dma_start3A_303 : memref<40x128xf32, #tpu.memory_space<vmem>>) offsets(%dma_start3A_304 : memref<40xi32, #tpu.memory_space<vmem>>) semaphore(%arg14 : memref<!tpu.dma_semaphore, #tpu.memory_space<semaphore_mem>>)
      %add3A_308 = arith.constant 160 : i32
      %add3A_309 = arith.addi %multiple_of3A_235, %add3A_308 : i32
      %dma_start3A_310 = arith.constant 160 : i32
      %dma_start3A_311 = arith.constant 0 : i32
      %dma_start3A_312 = tpu.memref_slice %arg12[%dma_start3A_310, %dma_start3A_311] : memref<200x128xf32, #tpu.memory_space<vmem>> -> memref<40x128xf32, #tpu.memory_space<vmem>>
      %dma_start3A_313 = tpu.memref_slice %arg8[%add3A_309] : memref<10000xi32, #tpu.memory_space<vmem>> -> memref<40xi32, #tpu.memory_space<vmem>>
      %dma_start3A_314 = arith.constant 0 : i32
      %dma_start3A_315 = arith.constant 0 : i32
      %dma_start3A_316 = tpu.memref_slice %arg2[%dma_start3A_314, %dma_start3A_315] : memref<10000x128xf32, #tpu.memory_space<hbm>> -> memref<10000x128xf32, #tpu.memory_space<hbm>>
      tpu.enqueue_indirect_dma source(%dma_start3A_316 : memref<10000x128xf32, #tpu.memory_space<hbm>>) target(%dma_start3A_312 : memref<40x128xf32, #tpu.memory_space<vmem>>) offsets(%dma_start3A_313 : memref<40xi32, #tpu.memory_space<vmem>>) semaphore(%arg14 : memref<!tpu.dma_semaphore, #tpu.memory_space<semaphore_mem>>)
      %add3A_317 = arith.constant 160 : i32
      %add3A_318 = arith.addi %multiple_of3A_235, %add3A_317 : i32
      %dma_start3A_319 = arith.constant 160 : i32
      %dma_start3A_320 = arith.constant 0 : i32
      %dma_start3A_321 = tpu.memref_slice %arg13[%dma_start3A_319, %dma_start3A_320] : memref<200x128xf32, #tpu.memory_space<vmem>> -> memref<40x128xf32, #tpu.memory_space<vmem>>
      %dma_start3A_322 = tpu.memref_slice %arg9[%add3A_318] : memref<10000xi32, #tpu.memory_space<vmem>> -> memref<40xi32, #tpu.memory_space<vmem>>
      %dma_start3A_323 = arith.constant 0 : i32
      %dma_start3A_324 = arith.constant 0 : i32
      %dma_start3A_325 = tpu.memref_slice %arg3[%dma_start3A_323, %dma_start3A_324] : memref<10000x128xf32, #tpu.memory_space<hbm>> -> memref<10000x128xf32, #tpu.memory_space<hbm>>
      tpu.enqueue_indirect_dma source(%dma_start3A_325 : memref<10000x128xf32, #tpu.memory_space<hbm>>) target(%dma_start3A_321 : memref<40x128xf32, #tpu.memory_space<vmem>>) offsets(%dma_start3A_322 : memref<40xi32, #tpu.memory_space<vmem>>) semaphore(%arg14 : memref<!tpu.dma_semaphore, #tpu.memory_space<semaphore_mem>>)
      %mul3A_326 = arith.constant 200 : i32
      %mul3A_327 = arith.muli %mul3A_108, %mul3A_326 : i32
      %multiple_of3A_328 = tpu.assume_multiple %mul3A_327, 200 : i32
      %add3A_329 = arith.addi %multiple_of3A, %multiple_of3A_328 : i32
      %dma_start3A_330 = arith.constant 0 : i32
      %dma_start3A_331 = tpu.memref_slice %arg6[%add3A_329, %dma_start3A_330] : memref<320000x128xf32, #tpu.memory_space<hbm>> -> memref<200x128xf32, #tpu.memory_space<hbm>>
      %dma_start3A_332 = arith.constant 0 : i32
      %dma_start3A_333 = tpu.memref_slice %arg6[%add3A_329, %dma_start3A_332] : memref<320000x128xf32, #tpu.memory_space<hbm>> -> memref<200x128xf32, #tpu.memory_space<hbm>>
      tpu.enqueue_dma source(%arg10 : memref<200x128xf32, #tpu.memory_space<vmem>>) target(%dma_start3A_333 : memref<200x128xf32, #tpu.memory_space<hbm>>) target_semaphore(%arg15 : memref<!tpu.dma_semaphore, #tpu.memory_space<semaphore_mem>>)
      %add3A_334 = arith.addi %multiple_of3A, %multiple_of3A_328 : i32
      %dma_start3A_335 = arith.constant 0 : i32
      %dma_start3A_336 = tpu.memref_slice %arg7[%add3A_334, %dma_start3A_335] : memref<320000x128xf32, #tpu.memory_space<hbm>> -> memref<200x128xf32, #tpu.memory_space<hbm>>
      %dma_start3A_337 = arith.constant 0 : i32
      %dma_start3A_338 = tpu.memref_slice %arg7[%add3A_334, %dma_start3A_337] : memref<320000x128xf32, #tpu.memory_space<hbm>> -> memref<200x128xf32, #tpu.memory_space<hbm>>
      tpu.enqueue_dma source(%arg11 : memref<200x128xf32, #tpu.memory_space<vmem>>) target(%dma_start3A_338 : memref<200x128xf32, #tpu.memory_space<hbm>>) target_semaphore(%arg15 : memref<!tpu.dma_semaphore, #tpu.memory_space<semaphore_mem>>)
      %dma_wait3A_339 = arith.constant 0 : i32
      %dma_wait3A_340 = arith.constant 0 : i32
      %dma_wait3A_341 = tpu.memref_slice %arg12[%dma_wait3A_339, %dma_wait3A_340] : memref<200x128xf32, #tpu.memory_space<vmem>> -> memref<40x128xf32, #tpu.memory_space<vmem>>
      %dma_wait3A_342 = arith.constant 0 : i32
      %dma_wait3A_343 = arith.constant 0 : i32
      %dma_wait3A_344 = tpu.memref_slice %arg2[%dma_wait3A_342, %dma_wait3A_343] : memref<10000x128xf32, #tpu.memory_space<hbm>> -> memref<40x128xf32, #tpu.memory_space<hbm>>
      %dma_wait3A_345 = arith.constant 0 : i32
      %dma_wait3A_346 = arith.constant 0 : i32
      %dma_wait3A_347 = tpu.memref_slice %arg12[%dma_wait3A_345, %dma_wait3A_346] : memref<200x128xf32, #tpu.memory_space<vmem>> -> memref<40x128xf32, #tpu.memory_space<vmem>>
      %dma_wait3A_348 = arith.constant 0 : i32
      %dma_wait3A_349 = arith.constant 0 : i32
      %dma_wait3A_350 = tpu.memref_slice %arg2[%dma_wait3A_348, %dma_wait3A_349] : memref<10000x128xf32, #tpu.memory_space<hbm>> -> memref<40x128xf32, #tpu.memory_space<hbm>>
      tpu.wait_dma2 semaphore(%arg14 : memref<!tpu.dma_semaphore, #tpu.memory_space<semaphore_mem>>) src(%dma_wait3A_350 : memref<40x128xf32, #tpu.memory_space<hbm>>) dst(%dma_wait3A_347 : memref<40x128xf32, #tpu.memory_space<vmem>>)
      %dma_wait3A_351 = arith.constant 0 : i32
      %dma_wait3A_352 = arith.constant 0 : i32
      %dma_wait3A_353 = tpu.memref_slice %arg13[%dma_wait3A_351, %dma_wait3A_352] : memref<200x128xf32, #tpu.memory_space<vmem>> -> memref<40x128xf32, #tpu.memory_space<vmem>>
      %dma_wait3A_354 = arith.constant 0 : i32
      %dma_wait3A_355 = arith.constant 0 : i32
      %dma_wait3A_356 = tpu.memref_slice %arg3[%dma_wait3A_354, %dma_wait3A_355] : memref<10000x128xf32, #tpu.memory_space<hbm>> -> memref<40x128xf32, #tpu.memory_space<hbm>>
      %dma_wait3A_357 = arith.constant 0 : i32
      %dma_wait3A_358 = arith.constant 0 : i32
      %dma_wait3A_359 = tpu.memref_slice %arg13[%dma_wait3A_357, %dma_wait3A_358] : memref<200x128xf32, #tpu.memory_space<vmem>> -> memref<40x128xf32, #tpu.memory_space<vmem>>
      %dma_wait3A_360 = arith.constant 0 : i32
      %dma_wait3A_361 = arith.constant 0 : i32
      %dma_wait3A_362 = tpu.memref_slice %arg3[%dma_wait3A_360, %dma_wait3A_361] : memref<10000x128xf32, #tpu.memory_space<hbm>> -> memref<40x128xf32, #tpu.memory_space<hbm>>
      tpu.wait_dma2 semaphore(%arg14 : memref<!tpu.dma_semaphore, #tpu.memory_space<semaphore_mem>>) src(%dma_wait3A_362 : memref<40x128xf32, #tpu.memory_space<hbm>>) dst(%dma_wait3A_359 : memref<40x128xf32, #tpu.memory_space<vmem>>)
      %dma_wait3A_363 = arith.constant 40 : i32
      %dma_wait3A_364 = arith.constant 0 : i32
      %dma_wait3A_365 = tpu.memref_slice %arg12[%dma_wait3A_363, %dma_wait3A_364] : memref<200x128xf32, #tpu.memory_space<vmem>> -> memref<40x128xf32, #tpu.memory_space<vmem>>
      %dma_wait3A_366 = arith.constant 0 : i32
      %dma_wait3A_367 = arith.constant 0 : i32
      %dma_wait3A_368 = tpu.memref_slice %arg2[%dma_wait3A_366, %dma_wait3A_367] : memref<10000x128xf32, #tpu.memory_space<hbm>> -> memref<40x128xf32, #tpu.memory_space<hbm>>
      %dma_wait3A_369 = arith.constant 40 : i32
      %dma_wait3A_370 = arith.constant 0 : i32
      %dma_wait3A_371 = tpu.memref_slice %arg12[%dma_wait3A_369, %dma_wait3A_370] : memref<200x128xf32, #tpu.memory_space<vmem>> -> memref<40x128xf32, #tpu.memory_space<vmem>>
      %dma_wait3A_372 = arith.constant 0 : i32
      %dma_wait3A_373 = arith.constant 0 : i32
      %dma_wait3A_374 = tpu.memref_slice %arg2[%dma_wait3A_372, %dma_wait3A_373] : memref<10000x128xf32, #tpu.memory_space<hbm>> -> memref<40x128xf32, #tpu.memory_space<hbm>>
      tpu.wait_dma2 semaphore(%arg14 : memref<!tpu.dma_semaphore, #tpu.memory_space<semaphore_mem>>) src(%dma_wait3A_374 : memref<40x128xf32, #tpu.memory_space<hbm>>) dst(%dma_wait3A_371 : memref<40x128xf32, #tpu.memory_space<vmem>>)
      %dma_wait3A_375 = arith.constant 40 : i32
      %dma_wait3A_376 = arith.constant 0 : i32
      %dma_wait3A_377 = tpu.memref_slice %arg13[%dma_wait3A_375, %dma_wait3A_376] : memref<200x128xf32, #tpu.memory_space<vmem>> -> memref<40x128xf32, #tpu.memory_space<vmem>>
      %dma_wait3A_378 = arith.constant 0 : i32
      %dma_wait3A_379 = arith.constant 0 : i32
      %dma_wait3A_380 = tpu.memref_slice %arg3[%dma_wait3A_378, %dma_wait3A_379] : memref<10000x128xf32, #tpu.memory_space<hbm>> -> memref<40x128xf32, #tpu.memory_space<hbm>>
      %dma_wait3A_381 = arith.constant 40 : i32
      %dma_wait3A_382 = arith.constant 0 : i32
      %dma_wait3A_383 = tpu.memref_slice %arg13[%dma_wait3A_381, %dma_wait3A_382] : memref<200x128xf32, #tpu.memory_space<vmem>> -> memref<40x128xf32, #tpu.memory_space<vmem>>
      %dma_wait3A_384 = arith.constant 0 : i32
      %dma_wait3A_385 = arith.constant 0 : i32
      %dma_wait3A_386 = tpu.memref_slice %arg3[%dma_wait3A_384, %dma_wait3A_385] : memref<10000x128xf32, #tpu.memory_space<hbm>> -> memref<40x128xf32, #tpu.memory_space<hbm>>
      tpu.wait_dma2 semaphore(%arg14 : memref<!tpu.dma_semaphore, #tpu.memory_space<semaphore_mem>>) src(%dma_wait3A_386 : memref<40x128xf32, #tpu.memory_space<hbm>>) dst(%dma_wait3A_383 : memref<40x128xf32, #tpu.memory_space<vmem>>)
      %dma_wait3A_387 = arith.constant 80 : i32
      %dma_wait3A_388 = arith.constant 0 : i32
      %dma_wait3A_389 = tpu.memref_slice %arg12[%dma_wait3A_387, %dma_wait3A_388] : memref<200x128xf32, #tpu.memory_space<vmem>> -> memref<40x128xf32, #tpu.memory_space<vmem>>
      %dma_wait3A_390 = arith.constant 0 : i32
      %dma_wait3A_391 = arith.constant 0 : i32
      %dma_wait3A_392 = tpu.memref_slice %arg2[%dma_wait3A_390, %dma_wait3A_391] : memref<10000x128xf32, #tpu.memory_space<hbm>> -> memref<40x128xf32, #tpu.memory_space<hbm>>
      %dma_wait3A_393 = arith.constant 80 : i32
      %dma_wait3A_394 = arith.constant 0 : i32
      %dma_wait3A_395 = tpu.memref_slice %arg12[%dma_wait3A_393, %dma_wait3A_394] : memref<200x128xf32, #tpu.memory_space<vmem>> -> memref<40x128xf32, #tpu.memory_space<vmem>>
      %dma_wait3A_396 = arith.constant 0 : i32
      %dma_wait3A_397 = arith.constant 0 : i32
      %dma_wait3A_398 = tpu.memref_slice %arg2[%dma_wait3A_396, %dma_wait3A_397] : memref<10000x128xf32, #tpu.memory_space<hbm>> -> memref<40x128xf32, #tpu.memory_space<hbm>>
      tpu.wait_dma2 semaphore(%arg14 : memref<!tpu.dma_semaphore, #tpu.memory_space<semaphore_mem>>) src(%dma_wait3A_398 : memref<40x128xf32, #tpu.memory_space<hbm>>) dst(%dma_wait3A_395 : memref<40x128xf32, #tpu.memory_space<vmem>>)
      %dma_wait3A_399 = arith.constant 80 : i32
      %dma_wait3A_400 = arith.constant 0 : i32
      %dma_wait3A_401 = tpu.memref_slice %arg13[%dma_wait3A_399, %dma_wait3A_400] : memref<200x128xf32, #tpu.memory_space<vmem>> -> memref<40x128xf32, #tpu.memory_space<vmem>>
      %dma_wait3A_402 = arith.constant 0 : i32
      %dma_wait3A_403 = arith.constant 0 : i32
      %dma_wait3A_404 = tpu.memref_slice %arg3[%dma_wait3A_402, %dma_wait3A_403] : memref<10000x128xf32, #tpu.memory_space<hbm>> -> memref<40x128xf32, #tpu.memory_space<hbm>>
      %dma_wait3A_405 = arith.constant 80 : i32
      %dma_wait3A_406 = arith.constant 0 : i32
      %dma_wait3A_407 = tpu.memref_slice %arg13[%dma_wait3A_405, %dma_wait3A_406] : memref<200x128xf32, #tpu.memory_space<vmem>> -> memref<40x128xf32, #tpu.memory_space<vmem>>
      %dma_wait3A_408 = arith.constant 0 : i32
      %dma_wait3A_409 = arith.constant 0 : i32
      %dma_wait3A_410 = tpu.memref_slice %arg3[%dma_wait3A_408, %dma_wait3A_409] : memref<10000x128xf32, #tpu.memory_space<hbm>> -> memref<40x128xf32, #tpu.memory_space<hbm>>
      tpu.wait_dma2 semaphore(%arg14 : memref<!tpu.dma_semaphore, #tpu.memory_space<semaphore_mem>>) src(%dma_wait3A_410 : memref<40x128xf32, #tpu.memory_space<hbm>>) dst(%dma_wait3A_407 : memref<40x128xf32, #tpu.memory_space<vmem>>)
      %dma_wait3A_411 = arith.constant 120 : i32
      %dma_wait3A_412 = arith.constant 0 : i32
      %dma_wait3A_413 = tpu.memref_slice %arg12[%dma_wait3A_411, %dma_wait3A_412] : memref<200x128xf32, #tpu.memory_space<vmem>> -> memref<40x128xf32, #tpu.memory_space<vmem>>
      %dma_wait3A_414 = arith.constant 0 : i32
      %dma_wait3A_415 = arith.constant 0 : i32
      %dma_wait3A_416 = tpu.memref_slice %arg2[%dma_wait3A_414, %dma_wait3A_415] : memref<10000x128xf32, #tpu.memory_space<hbm>> -> memref<40x128xf32, #tpu.memory_space<hbm>>
      %dma_wait3A_417 = arith.constant 120 : i32
      %dma_wait3A_418 = arith.constant 0 : i32
      %dma_wait3A_419 = tpu.memref_slice %arg12[%dma_wait3A_417, %dma_wait3A_418] : memref<200x128xf32, #tpu.memory_space<vmem>> -> memref<40x128xf32, #tpu.memory_space<vmem>>
      %dma_wait3A_420 = arith.constant 0 : i32
      %dma_wait3A_421 = arith.constant 0 : i32
      %dma_wait3A_422 = tpu.memref_slice %arg2[%dma_wait3A_420, %dma_wait3A_421] : memref<10000x128xf32, #tpu.memory_space<hbm>> -> memref<40x128xf32, #tpu.memory_space<hbm>>
      tpu.wait_dma2 semaphore(%arg14 : memref<!tpu.dma_semaphore, #tpu.memory_space<semaphore_mem>>) src(%dma_wait3A_422 : memref<40x128xf32, #tpu.memory_space<hbm>>) dst(%dma_wait3A_419 : memref<40x128xf32, #tpu.memory_space<vmem>>)
      %dma_wait3A_423 = arith.constant 120 : i32
      %dma_wait3A_424 = arith.constant 0 : i32
      %dma_wait3A_425 = tpu.memref_slice %arg13[%dma_wait3A_423, %dma_wait3A_424] : memref<200x128xf32, #tpu.memory_space<vmem>> -> memref<40x128xf32, #tpu.memory_space<vmem>>
      %dma_wait3A_426 = arith.constant 0 : i32
      %dma_wait3A_427 = arith.constant 0 : i32
      %dma_wait3A_428 = tpu.memref_slice %arg3[%dma_wait3A_426, %dma_wait3A_427] : memref<10000x128xf32, #tpu.memory_space<hbm>> -> memref<40x128xf32, #tpu.memory_space<hbm>>
      %dma_wait3A_429 = arith.constant 120 : i32
      %dma_wait3A_430 = arith.constant 0 : i32
      %dma_wait3A_431 = tpu.memref_slice %arg13[%dma_wait3A_429, %dma_wait3A_430] : memref<200x128xf32, #tpu.memory_space<vmem>> -> memref<40x128xf32, #tpu.memory_space<vmem>>
      %dma_wait3A_432 = arith.constant 0 : i32
      %dma_wait3A_433 = arith.constant 0 : i32
      %dma_wait3A_434 = tpu.memref_slice %arg3[%dma_wait3A_432, %dma_wait3A_433] : memref<10000x128xf32, #tpu.memory_space<hbm>> -> memref<40x128xf32, #tpu.memory_space<hbm>>
      tpu.wait_dma2 semaphore(%arg14 : memref<!tpu.dma_semaphore, #tpu.memory_space<semaphore_mem>>) src(%dma_wait3A_434 : memref<40x128xf32, #tpu.memory_space<hbm>>) dst(%dma_wait3A_431 : memref<40x128xf32, #tpu.memory_space<vmem>>)
      %dma_wait3A_435 = arith.constant 160 : i32
      %dma_wait3A_436 = arith.constant 0 : i32
      %dma_wait3A_437 = tpu.memref_slice %arg12[%dma_wait3A_435, %dma_wait3A_436] : memref<200x128xf32, #tpu.memory_space<vmem>> -> memref<40x128xf32, #tpu.memory_space<vmem>>
      %dma_wait3A_438 = arith.constant 0 : i32
      %dma_wait3A_439 = arith.constant 0 : i32
      %dma_wait3A_440 = tpu.memref_slice %arg2[%dma_wait3A_438, %dma_wait3A_439] : memref<10000x128xf32, #tpu.memory_space<hbm>> -> memref<40x128xf32, #tpu.memory_space<hbm>>
      %dma_wait3A_441 = arith.constant 160 : i32
      %dma_wait3A_442 = arith.constant 0 : i32
      %dma_wait3A_443 = tpu.memref_slice %arg12[%dma_wait3A_441, %dma_wait3A_442] : memref<200x128xf32, #tpu.memory_space<vmem>> -> memref<40x128xf32, #tpu.memory_space<vmem>>
      %dma_wait3A_444 = arith.constant 0 : i32
      %dma_wait3A_445 = arith.constant 0 : i32
      %dma_wait3A_446 = tpu.memref_slice %arg2[%dma_wait3A_444, %dma_wait3A_445] : memref<10000x128xf32, #tpu.memory_space<hbm>> -> memref<40x128xf32, #tpu.memory_space<hbm>>
      tpu.wait_dma2 semaphore(%arg14 : memref<!tpu.dma_semaphore, #tpu.memory_space<semaphore_mem>>) src(%dma_wait3A_446 : memref<40x128xf32, #tpu.memory_space<hbm>>) dst(%dma_wait3A_443 : memref<40x128xf32, #tpu.memory_space<vmem>>)
      %dma_wait3A_447 = arith.constant 160 : i32
      %dma_wait3A_448 = arith.constant 0 : i32
      %dma_wait3A_449 = tpu.memref_slice %arg13[%dma_wait3A_447, %dma_wait3A_448] : memref<200x128xf32, #tpu.memory_space<vmem>> -> memref<40x128xf32, #tpu.memory_space<vmem>>
      %dma_wait3A_450 = arith.constant 0 : i32
      %dma_wait3A_451 = arith.constant 0 : i32
      %dma_wait3A_452 = tpu.memref_slice %arg3[%dma_wait3A_450, %dma_wait3A_451] : memref<10000x128xf32, #tpu.memory_space<hbm>> -> memref<40x128xf32, #tpu.memory_space<hbm>>
      %dma_wait3A_453 = arith.constant 160 : i32
      %dma_wait3A_454 = arith.constant 0 : i32
      %dma_wait3A_455 = tpu.memref_slice %arg13[%dma_wait3A_453, %dma_wait3A_454] : memref<200x128xf32, #tpu.memory_space<vmem>> -> memref<40x128xf32, #tpu.memory_space<vmem>>
      %dma_wait3A_456 = arith.constant 0 : i32
      %dma_wait3A_457 = arith.constant 0 : i32
      %dma_wait3A_458 = tpu.memref_slice %arg3[%dma_wait3A_456, %dma_wait3A_457] : memref<10000x128xf32, #tpu.memory_space<hbm>> -> memref<40x128xf32, #tpu.memory_space<hbm>>
      tpu.wait_dma2 semaphore(%arg14 : memref<!tpu.dma_semaphore, #tpu.memory_space<semaphore_mem>>) src(%dma_wait3A_458 : memref<40x128xf32, #tpu.memory_space<hbm>>) dst(%dma_wait3A_455 : memref<40x128xf32, #tpu.memory_space<vmem>>)
      %dma_wait3A_459 = arith.constant 0 : i32
      %dma_wait3A_460 = tpu.memref_slice %arg6[%multiple_of3A, %dma_wait3A_459] : memref<320000x128xf32, #tpu.memory_space<hbm>> -> memref<200x128xf32, #tpu.memory_space<hbm>>
      %dma_wait3A_461 = arith.constant 0 : i32
      %dma_wait3A_462 = tpu.memref_slice %arg6[%multiple_of3A, %dma_wait3A_461] : memref<320000x128xf32, #tpu.memory_space<hbm>> -> memref<200x128xf32, #tpu.memory_space<hbm>>
      tpu.wait_dma2 semaphore(%arg15 : memref<!tpu.dma_semaphore, #tpu.memory_space<semaphore_mem>>) src(%arg10 : memref<200x128xf32, #tpu.memory_space<vmem>>) dst(%dma_wait3A_462 : memref<200x128xf32, #tpu.memory_space<hbm>>)
      %dma_wait3A_463 = arith.constant 0 : i32
      %dma_wait3A_464 = tpu.memref_slice %arg7[%multiple_of3A, %dma_wait3A_463] : memref<320000x128xf32, #tpu.memory_space<hbm>> -> memref<200x128xf32, #tpu.memory_space<hbm>>
      %dma_wait3A_465 = arith.constant 0 : i32
      %dma_wait3A_466 = tpu.memref_slice %arg7[%multiple_of3A, %dma_wait3A_465] : memref<320000x128xf32, #tpu.memory_space<hbm>> -> memref<200x128xf32, #tpu.memory_space<hbm>>
      tpu.wait_dma2 semaphore(%arg15 : memref<!tpu.dma_semaphore, #tpu.memory_space<semaphore_mem>>) src(%arg11 : memref<200x128xf32, #tpu.memory_space<vmem>>) dst(%dma_wait3A_466 : memref<200x128xf32, #tpu.memory_space<hbm>>)
      %lt3A = arith.constant 24 : i32
      %lt3A_467 = arith.cmpi slt, %scan3A_106, %lt3A : i32
      %convert_element_type3A_468 = arith.extui %lt3A_467 : i1 to i32
      %cond3A_469 = arith.constant 0 : i32
      %cond3A_470 = arith.cmpi ne, %convert_element_type3A_468, %cond3A_469 : i32
      scf.if %cond3A_470 {
        %add3A_486 = arith.constant 2 : i32
        %add3A_487 = arith.addi %mul3A_108, %add3A_486 : i32
        %mul3A_488 = arith.constant 200 : i32
        %mul3A_489 = arith.muli %add3A_487, %mul3A_488 : i32
        %multiple_of3A_490 = tpu.assume_multiple %mul3A_489, 200 : i32
        %add3A_491 = arith.constant 0 : i32
        %add3A_492 = arith.addi %multiple_of3A_490, %add3A_491 : i32
        %dma_start3A_493 = arith.constant 0 : i32
        %dma_start3A_494 = arith.constant 0 : i32
        %dma_start3A_495 = tpu.memref_slice %arg10[%dma_start3A_493, %dma_start3A_494] : memref<200x128xf32, #tpu.memory_space<vmem>> -> memref<40x128xf32, #tpu.memory_space<vmem>>
        %dma_start3A_496 = tpu.memref_slice %arg8[%add3A_492] : memref<10000xi32, #tpu.memory_space<vmem>> -> memref<40xi32, #tpu.memory_space<vmem>>
        %dma_start3A_497 = arith.constant 0 : i32
        %dma_start3A_498 = arith.constant 0 : i32
        %dma_start3A_499 = tpu.memref_slice %arg2[%dma_start3A_497, %dma_start3A_498] : memref<10000x128xf32, #tpu.memory_space<hbm>> -> memref<10000x128xf32, #tpu.memory_space<hbm>>
        tpu.enqueue_indirect_dma source(%dma_start3A_499 : memref<10000x128xf32, #tpu.memory_space<hbm>>) target(%dma_start3A_495 : memref<40x128xf32, #tpu.memory_space<vmem>>) offsets(%dma_start3A_496 : memref<40xi32, #tpu.memory_space<vmem>>) semaphore(%arg14 : memref<!tpu.dma_semaphore, #tpu.memory_space<semaphore_mem>>)
        %add3A_500 = arith.constant 0 : i32
        %add3A_501 = arith.addi %multiple_of3A_490, %add3A_500 : i32
        %dma_start3A_502 = arith.constant 0 : i32
        %dma_start3A_503 = arith.constant 0 : i32
        %dma_start3A_504 = tpu.memref_slice %arg11[%dma_start3A_502, %dma_start3A_503] : memref<200x128xf32, #tpu.memory_space<vmem>> -> memref<40x128xf32, #tpu.memory_space<vmem>>
        %dma_start3A_505 = tpu.memref_slice %arg9[%add3A_501] : memref<10000xi32, #tpu.memory_space<vmem>> -> memref<40xi32, #tpu.memory_space<vmem>>
        %dma_start3A_506 = arith.constant 0 : i32
        %dma_start3A_507 = arith.constant 0 : i32
        %dma_start3A_508 = tpu.memref_slice %arg3[%dma_start3A_506, %dma_start3A_507] : memref<10000x128xf32, #tpu.memory_space<hbm>> -> memref<10000x128xf32, #tpu.memory_space<hbm>>
        tpu.enqueue_indirect_dma source(%dma_start3A_508 : memref<10000x128xf32, #tpu.memory_space<hbm>>) target(%dma_start3A_504 : memref<40x128xf32, #tpu.memory_space<vmem>>) offsets(%dma_start3A_505 : memref<40xi32, #tpu.memory_space<vmem>>) semaphore(%arg14 : memref<!tpu.dma_semaphore, #tpu.memory_space<semaphore_mem>>)
        %add3A_509 = arith.constant 40 : i32
        %add3A_510 = arith.addi %multiple_of3A_490, %add3A_509 : i32
        %dma_start3A_511 = arith.constant 40 : i32
        %dma_start3A_512 = arith.constant 0 : i32
        %dma_start3A_513 = tpu.memref_slice %arg10[%dma_start3A_511, %dma_start3A_512] : memref<200x128xf32, #tpu.memory_space<vmem>> -> memref<40x128xf32, #tpu.memory_space<vmem>>
        %dma_start3A_514 = tpu.memref_slice %arg8[%add3A_510] : memref<10000xi32, #tpu.memory_space<vmem>> -> memref<40xi32, #tpu.memory_space<vmem>>
        %dma_start3A_515 = arith.constant 0 : i32
        %dma_start3A_516 = arith.constant 0 : i32
        %dma_start3A_517 = tpu.memref_slice %arg2[%dma_start3A_515, %dma_start3A_516] : memref<10000x128xf32, #tpu.memory_space<hbm>> -> memref<10000x128xf32, #tpu.memory_space<hbm>>
        tpu.enqueue_indirect_dma source(%dma_start3A_517 : memref<10000x128xf32, #tpu.memory_space<hbm>>) target(%dma_start3A_513 : memref<40x128xf32, #tpu.memory_space<vmem>>) offsets(%dma_start3A_514 : memref<40xi32, #tpu.memory_space<vmem>>) semaphore(%arg14 : memref<!tpu.dma_semaphore, #tpu.memory_space<semaphore_mem>>)
        %add3A_518 = arith.constant 40 : i32
        %add3A_519 = arith.addi %multiple_of3A_490, %add3A_518 : i32
        %dma_start3A_520 = arith.constant 40 : i32
        %dma_start3A_521 = arith.constant 0 : i32
        %dma_start3A_522 = tpu.memref_slice %arg11[%dma_start3A_520, %dma_start3A_521] : memref<200x128xf32, #tpu.memory_space<vmem>> -> memref<40x128xf32, #tpu.memory_space<vmem>>
        %dma_start3A_523 = tpu.memref_slice %arg9[%add3A_519] : memref<10000xi32, #tpu.memory_space<vmem>> -> memref<40xi32, #tpu.memory_space<vmem>>
        %dma_start3A_524 = arith.constant 0 : i32
        %dma_start3A_525 = arith.constant 0 : i32
        %dma_start3A_526 = tpu.memref_slice %arg3[%dma_start3A_524, %dma_start3A_525] : memref<10000x128xf32, #tpu.memory_space<hbm>> -> memref<10000x128xf32, #tpu.memory_space<hbm>>
        tpu.enqueue_indirect_dma source(%dma_start3A_526 : memref<10000x128xf32, #tpu.memory_space<hbm>>) target(%dma_start3A_522 : memref<40x128xf32, #tpu.memory_space<vmem>>) offsets(%dma_start3A_523 : memref<40xi32, #tpu.memory_space<vmem>>) semaphore(%arg14 : memref<!tpu.dma_semaphore, #tpu.memory_space<semaphore_mem>>)
        %add3A_527 = arith.constant 80 : i32
        %add3A_528 = arith.addi %multiple_of3A_490, %add3A_527 : i32
        %dma_start3A_529 = arith.constant 80 : i32
        %dma_start3A_530 = arith.constant 0 : i32
        %dma_start3A_531 = tpu.memref_slice %arg10[%dma_start3A_529, %dma_start3A_530] : memref<200x128xf32, #tpu.memory_space<vmem>> -> memref<40x128xf32, #tpu.memory_space<vmem>>
        %dma_start3A_532 = tpu.memref_slice %arg8[%add3A_528] : memref<10000xi32, #tpu.memory_space<vmem>> -> memref<40xi32, #tpu.memory_space<vmem>>
        %dma_start3A_533 = arith.constant 0 : i32
        %dma_start3A_534 = arith.constant 0 : i32
        %dma_start3A_535 = tpu.memref_slice %arg2[%dma_start3A_533, %dma_start3A_534] : memref<10000x128xf32, #tpu.memory_space<hbm>> -> memref<10000x128xf32, #tpu.memory_space<hbm>>
        tpu.enqueue_indirect_dma source(%dma_start3A_535 : memref<10000x128xf32, #tpu.memory_space<hbm>>) target(%dma_start3A_531 : memref<40x128xf32, #tpu.memory_space<vmem>>) offsets(%dma_start3A_532 : memref<40xi32, #tpu.memory_space<vmem>>) semaphore(%arg14 : memref<!tpu.dma_semaphore, #tpu.memory_space<semaphore_mem>>)
        %add3A_536 = arith.constant 80 : i32
        %add3A_537 = arith.addi %multiple_of3A_490, %add3A_536 : i32
        %dma_start3A_538 = arith.constant 80 : i32
        %dma_start3A_539 = arith.constant 0 : i32
        %dma_start3A_540 = tpu.memref_slice %arg11[%dma_start3A_538, %dma_start3A_539] : memref<200x128xf32, #tpu.memory_space<vmem>> -> memref<40x128xf32, #tpu.memory_space<vmem>>
        %dma_start3A_541 = tpu.memref_slice %arg9[%add3A_537] : memref<10000xi32, #tpu.memory_space<vmem>> -> memref<40xi32, #tpu.memory_space<vmem>>
        %dma_start3A_542 = arith.constant 0 : i32
        %dma_start3A_543 = arith.constant 0 : i32
        %dma_start3A_544 = tpu.memref_slice %arg3[%dma_start3A_542, %dma_start3A_543] : memref<10000x128xf32, #tpu.memory_space<hbm>> -> memref<10000x128xf32, #tpu.memory_space<hbm>>
        tpu.enqueue_indirect_dma source(%dma_start3A_544 : memref<10000x128xf32, #tpu.memory_space<hbm>>) target(%dma_start3A_540 : memref<40x128xf32, #tpu.memory_space<vmem>>) offsets(%dma_start3A_541 : memref<40xi32, #tpu.memory_space<vmem>>) semaphore(%arg14 : memref<!tpu.dma_semaphore, #tpu.memory_space<semaphore_mem>>)
        %add3A_545 = arith.constant 120 : i32
        %add3A_546 = arith.addi %multiple_of3A_490, %add3A_545 : i32
        %dma_start3A_547 = arith.constant 120 : i32
        %dma_start3A_548 = arith.constant 0 : i32
        %dma_start3A_549 = tpu.memref_slice %arg10[%dma_start3A_547, %dma_start3A_548] : memref<200x128xf32, #tpu.memory_space<vmem>> -> memref<40x128xf32, #tpu.memory_space<vmem>>
        %dma_start3A_550 = tpu.memref_slice %arg8[%add3A_546] : memref<10000xi32, #tpu.memory_space<vmem>> -> memref<40xi32, #tpu.memory_space<vmem>>
        %dma_start3A_551 = arith.constant 0 : i32
        %dma_start3A_552 = arith.constant 0 : i32
        %dma_start3A_553 = tpu.memref_slice %arg2[%dma_start3A_551, %dma_start3A_552] : memref<10000x128xf32, #tpu.memory_space<hbm>> -> memref<10000x128xf32, #tpu.memory_space<hbm>>
        tpu.enqueue_indirect_dma source(%dma_start3A_553 : memref<10000x128xf32, #tpu.memory_space<hbm>>) target(%dma_start3A_549 : memref<40x128xf32, #tpu.memory_space<vmem>>) offsets(%dma_start3A_550 : memref<40xi32, #tpu.memory_space<vmem>>) semaphore(%arg14 : memref<!tpu.dma_semaphore, #tpu.memory_space<semaphore_mem>>)
        %add3A_554 = arith.constant 120 : i32
        %add3A_555 = arith.addi %multiple_of3A_490, %add3A_554 : i32
        %dma_start3A_556 = arith.constant 120 : i32
        %dma_start3A_557 = arith.constant 0 : i32
        %dma_start3A_558 = tpu.memref_slice %arg11[%dma_start3A_556, %dma_start3A_557] : memref<200x128xf32, #tpu.memory_space<vmem>> -> memref<40x128xf32, #tpu.memory_space<vmem>>
        %dma_start3A_559 = tpu.memref_slice %arg9[%add3A_555] : memref<10000xi32, #tpu.memory_space<vmem>> -> memref<40xi32, #tpu.memory_space<vmem>>
        %dma_start3A_560 = arith.constant 0 : i32
        %dma_start3A_561 = arith.constant 0 : i32
        %dma_start3A_562 = tpu.memref_slice %arg3[%dma_start3A_560, %dma_start3A_561] : memref<10000x128xf32, #tpu.memory_space<hbm>> -> memref<10000x128xf32, #tpu.memory_space<hbm>>
        tpu.enqueue_indirect_dma source(%dma_start3A_562 : memref<10000x128xf32, #tpu.memory_space<hbm>>) target(%dma_start3A_558 : memref<40x128xf32, #tpu.memory_space<vmem>>) offsets(%dma_start3A_559 : memref<40xi32, #tpu.memory_space<vmem>>) semaphore(%arg14 : memref<!tpu.dma_semaphore, #tpu.memory_space<semaphore_mem>>)
        %add3A_563 = arith.constant 160 : i32
        %add3A_564 = arith.addi %multiple_of3A_490, %add3A_563 : i32
        %dma_start3A_565 = arith.constant 160 : i32
        %dma_start3A_566 = arith.constant 0 : i32
        %dma_start3A_567 = tpu.memref_slice %arg10[%dma_start3A_565, %dma_start3A_566] : memref<200x128xf32, #tpu.memory_space<vmem>> -> memref<40x128xf32, #tpu.memory_space<vmem>>
        %dma_start3A_568 = tpu.memref_slice %arg8[%add3A_564] : memref<10000xi32, #tpu.memory_space<vmem>> -> memref<40xi32, #tpu.memory_space<vmem>>
        %dma_start3A_569 = arith.constant 0 : i32
        %dma_start3A_570 = arith.constant 0 : i32
        %dma_start3A_571 = tpu.memref_slice %arg2[%dma_start3A_569, %dma_start3A_570] : memref<10000x128xf32, #tpu.memory_space<hbm>> -> memref<10000x128xf32, #tpu.memory_space<hbm>>
        tpu.enqueue_indirect_dma source(%dma_start3A_571 : memref<10000x128xf32, #tpu.memory_space<hbm>>) target(%dma_start3A_567 : memref<40x128xf32, #tpu.memory_space<vmem>>) offsets(%dma_start3A_568 : memref<40xi32, #tpu.memory_space<vmem>>) semaphore(%arg14 : memref<!tpu.dma_semaphore, #tpu.memory_space<semaphore_mem>>)
        %add3A_572 = arith.constant 160 : i32
        %add3A_573 = arith.addi %multiple_of3A_490, %add3A_572 : i32
        %dma_start3A_574 = arith.constant 160 : i32
        %dma_start3A_575 = arith.constant 0 : i32
        %dma_start3A_576 = tpu.memref_slice %arg11[%dma_start3A_574, %dma_start3A_575] : memref<200x128xf32, #tpu.memory_space<vmem>> -> memref<40x128xf32, #tpu.memory_space<vmem>>
        %dma_start3A_577 = tpu.memref_slice %arg9[%add3A_573] : memref<10000xi32, #tpu.memory_space<vmem>> -> memref<40xi32, #tpu.memory_space<vmem>>
        %dma_start3A_578 = arith.constant 0 : i32
        %dma_start3A_579 = arith.constant 0 : i32
        %dma_start3A_580 = tpu.memref_slice %arg3[%dma_start3A_578, %dma_start3A_579] : memref<10000x128xf32, #tpu.memory_space<hbm>> -> memref<10000x128xf32, #tpu.memory_space<hbm>>
        tpu.enqueue_indirect_dma source(%dma_start3A_580 : memref<10000x128xf32, #tpu.memory_space<hbm>>) target(%dma_start3A_576 : memref<40x128xf32, #tpu.memory_space<vmem>>) offsets(%dma_start3A_577 : memref<40xi32, #tpu.memory_space<vmem>>) semaphore(%arg14 : memref<!tpu.dma_semaphore, #tpu.memory_space<semaphore_mem>>)
      } else {
      }
      %add3A_471 = arith.constant 1 : i32
      %add3A_472 = arith.addi %mul3A_108, %add3A_471 : i32
      %mul3A_473 = arith.constant 200 : i32
      %mul3A_474 = arith.muli %add3A_472, %mul3A_473 : i32
      %multiple_of3A_475 = tpu.assume_multiple %mul3A_474, 200 : i32
      %add3A_476 = arith.addi %multiple_of3A, %multiple_of3A_475 : i32
      %dma_start3A_477 = arith.constant 0 : i32
      %dma_start3A_478 = tpu.memref_slice %arg6[%add3A_476, %dma_start3A_477] : memref<320000x128xf32, #tpu.memory_space<hbm>> -> memref<200x128xf32, #tpu.memory_space<hbm>>
      %dma_start3A_479 = arith.constant 0 : i32
      %dma_start3A_480 = tpu.memref_slice %arg6[%add3A_476, %dma_start3A_479] : memref<320000x128xf32, #tpu.memory_space<hbm>> -> memref<200x128xf32, #tpu.memory_space<hbm>>
      tpu.enqueue_dma source(%arg12 : memref<200x128xf32, #tpu.memory_space<vmem>>) target(%dma_start3A_480 : memref<200x128xf32, #tpu.memory_space<hbm>>) target_semaphore(%arg16 : memref<!tpu.dma_semaphore, #tpu.memory_space<semaphore_mem>>)
      %add3A_481 = arith.addi %multiple_of3A, %multiple_of3A_475 : i32
      %dma_start3A_482 = arith.constant 0 : i32
      %dma_start3A_483 = tpu.memref_slice %arg7[%add3A_481, %dma_start3A_482] : memref<320000x128xf32, #tpu.memory_space<hbm>> -> memref<200x128xf32, #tpu.memory_space<hbm>>
      %dma_start3A_484 = arith.constant 0 : i32
      %dma_start3A_485 = tpu.memref_slice %arg7[%add3A_481, %dma_start3A_484] : memref<320000x128xf32, #tpu.memory_space<hbm>> -> memref<200x128xf32, #tpu.memory_space<hbm>>
      tpu.enqueue_dma source(%arg13 : memref<200x128xf32, #tpu.memory_space<vmem>>) target(%dma_start3A_485 : memref<200x128xf32, #tpu.memory_space<hbm>>) target_semaphore(%arg16 : memref<!tpu.dma_semaphore, #tpu.memory_space<semaphore_mem>>)
    }
    %scan3A_98 = arith.constant 25 : i32
    %dma_wait3A = arith.constant 0 : i32
    %dma_wait3A_99 = tpu.memref_slice %arg6[%multiple_of3A, %dma_wait3A] : memref<320000x128xf32, #tpu.memory_space<hbm>> -> memref<200x128xf32, #tpu.memory_space<hbm>>
    %dma_wait3A_100 = arith.constant 0 : i32
    %dma_wait3A_101 = tpu.memref_slice %arg6[%multiple_of3A, %dma_wait3A_100] : memref<320000x128xf32, #tpu.memory_space<hbm>> -> memref<200x128xf32, #tpu.memory_space<hbm>>
    tpu.wait_dma2 semaphore(%arg16 : memref<!tpu.dma_semaphore, #tpu.memory_space<semaphore_mem>>) src(%arg12 : memref<200x128xf32, #tpu.memory_space<vmem>>) dst(%dma_wait3A_101 : memref<200x128xf32, #tpu.memory_space<hbm>>)
    %dma_wait3A_102 = arith.constant 0 : i32
    %dma_wait3A_103 = tpu.memref_slice %arg7[%multiple_of3A, %dma_wait3A_102] : memref<320000x128xf32, #tpu.memory_space<hbm>> -> memref<200x128xf32, #tpu.memory_space<hbm>>
    %dma_wait3A_104 = arith.constant 0 : i32
    %dma_wait3A_105 = tpu.memref_slice %arg7[%multiple_of3A, %dma_wait3A_104] : memref<320000x128xf32, #tpu.memory_space<hbm>> -> memref<200x128xf32, #tpu.memory_space<hbm>>
    tpu.wait_dma2 semaphore(%arg16 : memref<!tpu.dma_semaphore, #tpu.memory_space<semaphore_mem>>) src(%arg13 : memref<200x128xf32, #tpu.memory_space<vmem>>) dst(%dma_wait3A_105 : memref<200x128xf32, #tpu.memory_space<hbm>>)
    return
  }
}

#map = affine_map<(d0, d1) -> (0, 0)>
#map1 = affine_map<(d0, d1) -> (0, 0, 0)>
module attributes {stable_mosaic.version = 14 : i64} {
  func.func @_sc_scatter(%arg0: i32, %arg1: i32, %arg2: memref<320000x128xf32, #tpu.memory_space<hbm>>, %arg3: memref<32x125x80xi32, #tpu.memory_space<hbm>>, %arg4: memref<10240x128xf32, #tpu.memory_space<hbm>>, %arg5: memref<2x10240x128xf32, #tpu.memory_space<hbm>>, %arg6: memref<10240x128xf32, #tpu.memory_space<vmem_shared>>, %arg7: memref<125x80xi32, #tpu.memory_space<vmem>>, %arg8: memref<80x128xf32, #tpu.memory_space<vmem>>, %arg9: memref<80x128xf32, #tpu.memory_space<vmem>>, %arg10: memref<!tpu.dma_semaphore, #tpu.memory_space<semaphore_mem>>) attributes {dimension_semantics = [#tpu.dimension_semantics<core_parallel>, #tpu.dimension_semantics<subcore_parallel>], iteration_bounds = array<i64: 2, 16>, scalar_prefetch = 0 : i64, scratch_operands = 5 : i64, tpu.core_type = #tpu.core_type<sc_vector_subcore>, window_params = [{transform_indices = #map}, {transform_indices = #map1}, {transform_indices = #map}, {transform_indices = #map1}]} {
    %mul3A = arith.constant 2 : i32
    %mul3A_0 = arith.muli %arg1, %mul3A : i32
    %add3A = arith.addi %mul3A_0, %arg0 : i32
    %mul3A_1 = arith.constant 640 : i32
    %mul3A_2 = arith.muli %arg1, %mul3A_1 : i32
    %mul3A_3 = arith.constant 640 : i32
    %mul3A_4 = arith.muli %arg1, %mul3A_3 : i32
    "tpu.region"() ({
      %run_scoped3A_27 = tpu.sem_alloc : memref<!tpu.dma_semaphore, #tpu.memory_space<semaphore_mem>>
      %dma_start3A_28 = arith.constant 0 : i32
      %dma_start3A_29 = tpu.memref_slice %arg6[%mul3A_4, %dma_start3A_28] : memref<10240x128xf32, #tpu.memory_space<vmem_shared>> -> memref<640x128xf32, #tpu.memory_space<vmem_shared>>
      %dma_start3A_30 = arith.constant 0 : i32
      %dma_start3A_31 = tpu.memref_slice %arg4[%mul3A_2, %dma_start3A_30] : memref<10240x128xf32, #tpu.memory_space<hbm>> -> memref<640x128xf32, #tpu.memory_space<hbm>>
      tpu.enqueue_dma source(%dma_start3A_31 : memref<640x128xf32, #tpu.memory_space<hbm>>) target(%dma_start3A_29 : memref<640x128xf32, #tpu.memory_space<vmem_shared>>) target_semaphore(%run_scoped3A_27 : memref<!tpu.dma_semaphore, #tpu.memory_space<semaphore_mem>>)
      %dma_wait3A_32 = arith.constant 0 : i32
      %dma_wait3A_33 = tpu.memref_slice %arg6[%mul3A_4, %dma_wait3A_32] : memref<10240x128xf32, #tpu.memory_space<vmem_shared>> -> memref<640x128xf32, #tpu.memory_space<vmem_shared>>
      %dma_wait3A_34 = arith.constant 0 : i32
      %dma_wait3A_35 = tpu.memref_slice %arg4[%mul3A_2, %dma_wait3A_34] : memref<10240x128xf32, #tpu.memory_space<hbm>> -> memref<640x128xf32, #tpu.memory_space<hbm>>
      tpu.wait_dma2 semaphore(%run_scoped3A_27 : memref<!tpu.dma_semaphore, #tpu.memory_space<semaphore_mem>>) src(%dma_wait3A_35 : memref<640x128xf32, #tpu.memory_space<hbm>>) dst(%dma_wait3A_33 : memref<640x128xf32, #tpu.memory_space<vmem_shared>>)
      tpu.yield
    }) : () -> ()
    "tpu.region"() ({
      %run_scoped3A_27 = tpu.sem_alloc : memref<!tpu.dma_semaphore, #tpu.memory_space<semaphore_mem>>
      %dma_start3A_28 = arith.constant 0 : i32
      %dma_start3A_29 = arith.constant 0 : i32
      %dma_start3A_30 = tpu.memref_slice %arg3[%add3A, %dma_start3A_28, %dma_start3A_29] : memref<32x125x80xi32, #tpu.memory_space<hbm>> -> memref<1x125x80xi32, #tpu.memory_space<hbm>>
      %dma_start3A_31 = tpu.memref_squeeze %dma_start3A_30 : memref<1x125x80xi32, #tpu.memory_space<hbm>> -> memref<125x80xi32, #tpu.memory_space<hbm>>
      %dma_start3A_32 = arith.constant 0 : i32
      %dma_start3A_33 = arith.constant 0 : i32
      %dma_start3A_34 = tpu.memref_slice %arg3[%add3A, %dma_start3A_32, %dma_start3A_33] : memref<32x125x80xi32, #tpu.memory_space<hbm>> -> memref<1x125x80xi32, #tpu.memory_space<hbm>>
      %dma_start3A_35 = tpu.memref_squeeze %dma_start3A_34 : memref<1x125x80xi32, #tpu.memory_space<hbm>> -> memref<125x80xi32, #tpu.memory_space<hbm>>
      tpu.enqueue_dma source(%dma_start3A_35 : memref<125x80xi32, #tpu.memory_space<hbm>>) target(%arg7 : memref<125x80xi32, #tpu.memory_space<vmem>>) target_semaphore(%run_scoped3A_27 : memref<!tpu.dma_semaphore, #tpu.memory_space<semaphore_mem>>)
      %dma_wait3A_36 = arith.constant 0 : i32
      %dma_wait3A_37 = arith.constant 0 : i32
      %dma_wait3A_38 = tpu.memref_slice %arg3[%add3A, %dma_wait3A_36, %dma_wait3A_37] : memref<32x125x80xi32, #tpu.memory_space<hbm>> -> memref<1x125x80xi32, #tpu.memory_space<hbm>>
      %dma_wait3A_39 = tpu.memref_squeeze %dma_wait3A_38 : memref<1x125x80xi32, #tpu.memory_space<hbm>> -> memref<125x80xi32, #tpu.memory_space<hbm>>
      %dma_wait3A_40 = arith.constant 0 : i32
      %dma_wait3A_41 = arith.constant 0 : i32
      %dma_wait3A_42 = tpu.memref_slice %arg3[%add3A, %dma_wait3A_40, %dma_wait3A_41] : memref<32x125x80xi32, #tpu.memory_space<hbm>> -> memref<1x125x80xi32, #tpu.memory_space<hbm>>
      %dma_wait3A_43 = tpu.memref_squeeze %dma_wait3A_42 : memref<1x125x80xi32, #tpu.memory_space<hbm>> -> memref<125x80xi32, #tpu.memory_space<hbm>>
      tpu.wait_dma2 semaphore(%run_scoped3A_27 : memref<!tpu.dma_semaphore, #tpu.memory_space<semaphore_mem>>) src(%dma_wait3A_43 : memref<125x80xi32, #tpu.memory_space<hbm>>) dst(%arg7 : memref<125x80xi32, #tpu.memory_space<vmem>>)
      tpu.yield
    }) : () -> ()
    %barrier3A = arith.constant 0 : index
    tpu.barrier barrier_id(%barrier3A)
    %mul3A_5 = arith.constant 10000 : i32
    %mul3A_6 = arith.muli %add3A, %mul3A_5 : i32
    %multiple_of3A = tpu.assume_multiple %mul3A_6, 10000 : i32
    %add3A_7 = arith.constant 0 : i32
    %add3A_8 = arith.addi %multiple_of3A, %add3A_7 : i32
    %dma_start3A = arith.constant 0 : i32
    %dma_start3A_9 = tpu.memref_slice %arg2[%add3A_8, %dma_start3A] : memref<320000x128xf32, #tpu.memory_space<hbm>> -> memref<80x128xf32, #tpu.memory_space<hbm>>
    %dma_start3A_10 = arith.constant 0 : i32
    %dma_start3A_11 = tpu.memref_slice %arg2[%add3A_8, %dma_start3A_10] : memref<320000x128xf32, #tpu.memory_space<hbm>> -> memref<80x128xf32, #tpu.memory_space<hbm>>
    tpu.enqueue_dma source(%dma_start3A_11 : memref<80x128xf32, #tpu.memory_space<hbm>>) target(%arg8 : memref<80x128xf32, #tpu.memory_space<vmem>>) target_semaphore(%arg10 : memref<!tpu.dma_semaphore, #tpu.memory_space<semaphore_mem>>)
    %scan3A = arith.constant 0 : i32
    %scan3A_12 = arith.constant 0 : i32
    %scan3A_13 = arith.constant 62 : i32
    %scan3A_14 = arith.addi %scan3A_12, %scan3A_13 : i32
    %scan3A_15 = arith.constant 1 : i32
    scf.for %scan3A_27 = %scan3A_12 to %scan3A_14 step %scan3A_15  : i32 {
      %mul3A_28 = arith.constant 2 : i32
      %mul3A_29 = arith.muli %scan3A_27, %mul3A_28 : i32
      %dma_wait3A_30 = arith.constant 0 : i32
      %dma_wait3A_31 = arith.constant 0 : i32
      %dma_wait3A_32 = tpu.memref_slice %arg2[%dma_wait3A_30, %dma_wait3A_31] : memref<320000x128xf32, #tpu.memory_space<hbm>> -> memref<80x128xf32, #tpu.memory_space<hbm>>
      %dma_wait3A_33 = arith.constant 0 : i32
      %dma_wait3A_34 = arith.constant 0 : i32
      %dma_wait3A_35 = tpu.memref_slice %arg2[%dma_wait3A_33, %dma_wait3A_34] : memref<320000x128xf32, #tpu.memory_space<hbm>> -> memref<80x128xf32, #tpu.memory_space<hbm>>
      tpu.wait_dma2 semaphore(%arg10 : memref<!tpu.dma_semaphore, #tpu.memory_space<semaphore_mem>>) src(%dma_wait3A_35 : memref<80x128xf32, #tpu.memory_space<hbm>>) dst(%arg8 : memref<80x128xf32, #tpu.memory_space<vmem>>)
      %add3A_36 = arith.constant 1 : i32
      %add3A_37 = arith.addi %mul3A_29, %add3A_36 : i32
      %mul3A_38 = arith.constant 80 : i32
      %mul3A_39 = arith.muli %add3A_37, %mul3A_38 : i32
      %add3A_40 = arith.addi %multiple_of3A, %mul3A_39 : i32
      %dma_start3A_41 = arith.constant 0 : i32
      %dma_start3A_42 = tpu.memref_slice %arg2[%add3A_40, %dma_start3A_41] : memref<320000x128xf32, #tpu.memory_space<hbm>> -> memref<80x128xf32, #tpu.memory_space<hbm>>
      %dma_start3A_43 = arith.constant 0 : i32
      %dma_start3A_44 = tpu.memref_slice %arg2[%add3A_40, %dma_start3A_43] : memref<320000x128xf32, #tpu.memory_space<hbm>> -> memref<80x128xf32, #tpu.memory_space<hbm>>
      tpu.enqueue_dma source(%dma_start3A_44 : memref<80x128xf32, #tpu.memory_space<hbm>>) target(%arg9 : memref<80x128xf32, #tpu.memory_space<vmem>>) target_semaphore(%arg10 : memref<!tpu.dma_semaphore, #tpu.memory_space<semaphore_mem>>)
      "tpu.region"() ({
        %run_scoped3A_62 = tpu.sem_alloc : memref<!tpu.dma_semaphore, #tpu.memory_space<semaphore_mem>>
        %dma_start3A_63 = arith.constant 0 : i32
        %dma_start3A_64 = tpu.memref_slice %arg7[%mul3A_29, %dma_start3A_63] : memref<125x80xi32, #tpu.memory_space<vmem>> -> memref<1x80xi32, #tpu.memory_space<vmem>>
        %dma_start3A_65 = tpu.memref_squeeze %dma_start3A_64 : memref<1x80xi32, #tpu.memory_space<vmem>> -> memref<80xi32, #tpu.memory_space<vmem>>
        %dma_start3A_66 = arith.constant 0 : i32
        %dma_start3A_67 = arith.constant 0 : i32
        %dma_start3A_68 = tpu.memref_slice %arg6[%dma_start3A_66, %dma_start3A_67] : memref<10240x128xf32, #tpu.memory_space<vmem_shared>> -> memref<10240x128xf32, #tpu.memory_space<vmem_shared>>
        tpu.enqueue_indirect_dma source(%arg8 : memref<80x128xf32, #tpu.memory_space<vmem>>) target(%dma_start3A_68 : memref<10240x128xf32, #tpu.memory_space<vmem_shared>>) offsets(%dma_start3A_65 : memref<80xi32, #tpu.memory_space<vmem>>) semaphore(%run_scoped3A_62 : memref<!tpu.dma_semaphore, #tpu.memory_space<semaphore_mem>>) {add = true}
        %dma_wait3A_69 = arith.constant 0 : i32
        %dma_wait3A_70 = tpu.memref_slice %arg7[%mul3A_29, %dma_wait3A_69] : memref<125x80xi32, #tpu.memory_space<vmem>> -> memref<1x80xi32, #tpu.memory_space<vmem>>
        %dma_wait3A_71 = tpu.memref_squeeze %dma_wait3A_70 : memref<1x80xi32, #tpu.memory_space<vmem>> -> memref<80xi32, #tpu.memory_space<vmem>>
        %dma_wait3A_72 = arith.constant 0 : i32
        %dma_wait3A_73 = arith.constant 0 : i32
        %dma_wait3A_74 = tpu.memref_slice %arg6[%dma_wait3A_72, %dma_wait3A_73] : memref<10240x128xf32, #tpu.memory_space<vmem_shared>> -> memref<10240x128xf32, #tpu.memory_space<vmem_shared>>
        tpu.wait_indirect_dma semaphore(%run_scoped3A_62 : memref<!tpu.dma_semaphore, #tpu.memory_space<semaphore_mem>>) src(%arg8 : memref<80x128xf32, #tpu.memory_space<vmem>>) dst(%dma_wait3A_74 : memref<10240x128xf32, #tpu.memory_space<vmem_shared>>)
        tpu.yield
      }) : () -> ()
      %dma_wait3A_45 = arith.constant 0 : i32
      %dma_wait3A_46 = arith.constant 0 : i32
      %dma_wait3A_47 = tpu.memref_slice %arg2[%dma_wait3A_45, %dma_wait3A_46] : memref<320000x128xf32, #tpu.memory_space<hbm>> -> memref<80x128xf32, #tpu.memory_space<hbm>>
      %dma_wait3A_48 = arith.constant 0 : i32
      %dma_wait3A_49 = arith.constant 0 : i32
      %dma_wait3A_50 = tpu.memref_slice %arg2[%dma_wait3A_48, %dma_wait3A_49] : memref<320000x128xf32, #tpu.memory_space<hbm>> -> memref<80x128xf32, #tpu.memory_space<hbm>>
      tpu.wait_dma2 semaphore(%arg10 : memref<!tpu.dma_semaphore, #tpu.memory_space<semaphore_mem>>) src(%dma_wait3A_50 : memref<80x128xf32, #tpu.memory_space<hbm>>) dst(%arg9 : memref<80x128xf32, #tpu.memory_space<vmem>>)
      %add3A_51 = arith.constant 2 : i32
      %add3A_52 = arith.addi %mul3A_29, %add3A_51 : i32
      %mul3A_53 = arith.constant 80 : i32
      %mul3A_54 = arith.muli %add3A_52, %mul3A_53 : i32
      %add3A_55 = arith.addi %multiple_of3A, %mul3A_54 : i32
      %dma_start3A_56 = arith.constant 0 : i32
      %dma_start3A_57 = tpu.memref_slice %arg2[%add3A_55, %dma_start3A_56] : memref<320000x128xf32, #tpu.memory_space<hbm>> -> memref<80x128xf32, #tpu.memory_space<hbm>>
      %dma_start3A_58 = arith.constant 0 : i32
      %dma_start3A_59 = tpu.memref_slice %arg2[%add3A_55, %dma_start3A_58] : memref<320000x128xf32, #tpu.memory_space<hbm>> -> memref<80x128xf32, #tpu.memory_space<hbm>>
      tpu.enqueue_dma source(%dma_start3A_59 : memref<80x128xf32, #tpu.memory_space<hbm>>) target(%arg8 : memref<80x128xf32, #tpu.memory_space<vmem>>) target_semaphore(%arg10 : memref<!tpu.dma_semaphore, #tpu.memory_space<semaphore_mem>>)
      %add3A_60 = arith.constant 1 : i32
      %add3A_61 = arith.addi %mul3A_29, %add3A_60 : i32
      "tpu.region"() ({
        %run_scoped3A_62 = tpu.sem_alloc : memref<!tpu.dma_semaphore, #tpu.memory_space<semaphore_mem>>
        %dma_start3A_63 = arith.constant 0 : i32
        %dma_start3A_64 = tpu.memref_slice %arg7[%add3A_61, %dma_start3A_63] : memref<125x80xi32, #tpu.memory_space<vmem>> -> memref<1x80xi32, #tpu.memory_space<vmem>>
        %dma_start3A_65 = tpu.memref_squeeze %dma_start3A_64 : memref<1x80xi32, #tpu.memory_space<vmem>> -> memref<80xi32, #tpu.memory_space<vmem>>
        %dma_start3A_66 = arith.constant 0 : i32
        %dma_start3A_67 = arith.constant 0 : i32
        %dma_start3A_68 = tpu.memref_slice %arg6[%dma_start3A_66, %dma_start3A_67] : memref<10240x128xf32, #tpu.memory_space<vmem_shared>> -> memref<10240x128xf32, #tpu.memory_space<vmem_shared>>
        tpu.enqueue_indirect_dma source(%arg9 : memref<80x128xf32, #tpu.memory_space<vmem>>) target(%dma_start3A_68 : memref<10240x128xf32, #tpu.memory_space<vmem_shared>>) offsets(%dma_start3A_65 : memref<80xi32, #tpu.memory_space<vmem>>) semaphore(%run_scoped3A_62 : memref<!tpu.dma_semaphore, #tpu.memory_space<semaphore_mem>>) {add = true}
        %dma_wait3A_69 = arith.constant 0 : i32
        %dma_wait3A_70 = tpu.memref_slice %arg7[%add3A_61, %dma_wait3A_69] : memref<125x80xi32, #tpu.memory_space<vmem>> -> memref<1x80xi32, #tpu.memory_space<vmem>>
        %dma_wait3A_71 = tpu.memref_squeeze %dma_wait3A_70 : memref<1x80xi32, #tpu.memory_space<vmem>> -> memref<80xi32, #tpu.memory_space<vmem>>
        %dma_wait3A_72 = arith.constant 0 : i32
        %dma_wait3A_73 = arith.constant 0 : i32
        %dma_wait3A_74 = tpu.memref_slice %arg6[%dma_wait3A_72, %dma_wait3A_73] : memref<10240x128xf32, #tpu.memory_space<vmem_shared>> -> memref<10240x128xf32, #tpu.memory_space<vmem_shared>>
        tpu.wait_indirect_dma semaphore(%run_scoped3A_62 : memref<!tpu.dma_semaphore, #tpu.memory_space<semaphore_mem>>) src(%arg9 : memref<80x128xf32, #tpu.memory_space<vmem>>) dst(%dma_wait3A_74 : memref<10240x128xf32, #tpu.memory_space<vmem_shared>>)
        tpu.yield
      }) : () -> ()
    }
    %scan3A_16 = arith.constant 62 : i32
    %dma_wait3A = arith.constant 0 : i32
    %dma_wait3A_17 = arith.constant 0 : i32
    %dma_wait3A_18 = tpu.memref_slice %arg2[%dma_wait3A, %dma_wait3A_17] : memref<320000x128xf32, #tpu.memory_space<hbm>> -> memref<80x128xf32, #tpu.memory_space<hbm>>
    %dma_wait3A_19 = arith.constant 0 : i32
    %dma_wait3A_20 = arith.constant 0 : i32
    %dma_wait3A_21 = tpu.memref_slice %arg2[%dma_wait3A_19, %dma_wait3A_20] : memref<320000x128xf32, #tpu.memory_space<hbm>> -> memref<80x128xf32, #tpu.memory_space<hbm>>
    tpu.wait_dma2 semaphore(%arg10 : memref<!tpu.dma_semaphore, #tpu.memory_space<semaphore_mem>>) src(%dma_wait3A_21 : memref<80x128xf32, #tpu.memory_space<hbm>>) dst(%arg8 : memref<80x128xf32, #tpu.memory_space<vmem>>)
    %run_scoped3A = arith.constant 124 : i32
    "tpu.region"() ({
      %run_scoped3A_27 = tpu.sem_alloc : memref<!tpu.dma_semaphore, #tpu.memory_space<semaphore_mem>>
      %dma_start3A_28 = arith.constant 0 : i32
      %dma_start3A_29 = tpu.memref_slice %arg7[%run_scoped3A, %dma_start3A_28] : memref<125x80xi32, #tpu.memory_space<vmem>> -> memref<1x80xi32, #tpu.memory_space<vmem>>
      %dma_start3A_30 = tpu.memref_squeeze %dma_start3A_29 : memref<1x80xi32, #tpu.memory_space<vmem>> -> memref<80xi32, #tpu.memory_space<vmem>>
      %dma_start3A_31 = arith.constant 0 : i32
      %dma_start3A_32 = arith.constant 0 : i32
      %dma_start3A_33 = tpu.memref_slice %arg6[%dma_start3A_31, %dma_start3A_32] : memref<10240x128xf32, #tpu.memory_space<vmem_shared>> -> memref<10240x128xf32, #tpu.memory_space<vmem_shared>>
      tpu.enqueue_indirect_dma source(%arg8 : memref<80x128xf32, #tpu.memory_space<vmem>>) target(%dma_start3A_33 : memref<10240x128xf32, #tpu.memory_space<vmem_shared>>) offsets(%dma_start3A_30 : memref<80xi32, #tpu.memory_space<vmem>>) semaphore(%run_scoped3A_27 : memref<!tpu.dma_semaphore, #tpu.memory_space<semaphore_mem>>) {add = true}
      %dma_wait3A_34 = arith.constant 0 : i32
      %dma_wait3A_35 = tpu.memref_slice %arg7[%run_scoped3A, %dma_wait3A_34] : memref<125x80xi32, #tpu.memory_space<vmem>> -> memref<1x80xi32, #tpu.memory_space<vmem>>
      %dma_wait3A_36 = tpu.memref_squeeze %dma_wait3A_35 : memref<1x80xi32, #tpu.memory_space<vmem>> -> memref<80xi32, #tpu.memory_space<vmem>>
      %dma_wait3A_37 = arith.constant 0 : i32
      %dma_wait3A_38 = arith.constant 0 : i32
      %dma_wait3A_39 = tpu.memref_slice %arg6[%dma_wait3A_37, %dma_wait3A_38] : memref<10240x128xf32, #tpu.memory_space<vmem_shared>> -> memref<10240x128xf32, #tpu.memory_space<vmem_shared>>
      tpu.wait_indirect_dma semaphore(%run_scoped3A_27 : memref<!tpu.dma_semaphore, #tpu.memory_space<semaphore_mem>>) src(%arg8 : memref<80x128xf32, #tpu.memory_space<vmem>>) dst(%dma_wait3A_39 : memref<10240x128xf32, #tpu.memory_space<vmem_shared>>)
      tpu.yield
    }) : () -> ()
    %barrier3A_22 = arith.constant 0 : index
    tpu.barrier barrier_id(%barrier3A_22)
    %mul3A_23 = arith.constant 640 : i32
    %mul3A_24 = arith.muli %arg1, %mul3A_23 : i32
    %mul3A_25 = arith.constant 640 : i32
    %mul3A_26 = arith.muli %arg1, %mul3A_25 : i32
    "tpu.region"() ({
      %run_scoped3A_27 = tpu.sem_alloc : memref<!tpu.dma_semaphore, #tpu.memory_space<semaphore_mem>>
      %dma_start3A_28 = arith.constant 0 : i32
      %dma_start3A_29 = arith.constant 0 : i32
      %dma_start3A_30 = tpu.memref_slice %arg5[%arg0, %dma_start3A_28, %dma_start3A_29] : memref<2x10240x128xf32, #tpu.memory_space<hbm>> -> memref<1x10240x128xf32, #tpu.memory_space<hbm>>
      %dma_start3A_31 = tpu.memref_squeeze %dma_start3A_30 : memref<1x10240x128xf32, #tpu.memory_space<hbm>> -> memref<10240x128xf32, #tpu.memory_space<hbm>>
      %dma_start3A_32 = arith.constant 0 : i32
      %dma_start3A_33 = tpu.memref_slice %dma_start3A_31[%mul3A_26, %dma_start3A_32] : memref<10240x128xf32, #tpu.memory_space<hbm>> -> memref<640x128xf32, #tpu.memory_space<hbm>>
      %dma_start3A_34 = arith.constant 0 : i32
      %dma_start3A_35 = tpu.memref_slice %arg6[%mul3A_24, %dma_start3A_34] : memref<10240x128xf32, #tpu.memory_space<vmem_shared>> -> memref<640x128xf32, #tpu.memory_space<vmem_shared>>
      tpu.enqueue_dma source(%dma_start3A_35 : memref<640x128xf32, #tpu.memory_space<vmem_shared>>) target(%dma_start3A_33 : memref<640x128xf32, #tpu.memory_space<hbm>>) target_semaphore(%run_scoped3A_27 : memref<!tpu.dma_semaphore, #tpu.memory_space<semaphore_mem>>)
      %dma_wait3A_36 = arith.constant 0 : i32
      %dma_wait3A_37 = arith.constant 0 : i32
      %dma_wait3A_38 = tpu.memref_slice %arg5[%arg0, %dma_wait3A_36, %dma_wait3A_37] : memref<2x10240x128xf32, #tpu.memory_space<hbm>> -> memref<1x10240x128xf32, #tpu.memory_space<hbm>>
      %dma_wait3A_39 = tpu.memref_squeeze %dma_wait3A_38 : memref<1x10240x128xf32, #tpu.memory_space<hbm>> -> memref<10240x128xf32, #tpu.memory_space<hbm>>
      %dma_wait3A_40 = arith.constant 0 : i32
      %dma_wait3A_41 = tpu.memref_slice %dma_wait3A_39[%mul3A_26, %dma_wait3A_40] : memref<10240x128xf32, #tpu.memory_space<hbm>> -> memref<640x128xf32, #tpu.memory_space<hbm>>
      %dma_wait3A_42 = arith.constant 0 : i32
      %dma_wait3A_43 = tpu.memref_slice %arg6[%mul3A_24, %dma_wait3A_42] : memref<10240x128xf32, #tpu.memory_space<vmem_shared>> -> memref<640x128xf32, #tpu.memory_space<vmem_shared>>
      tpu.wait_dma2 semaphore(%run_scoped3A_27 : memref<!tpu.dma_semaphore, #tpu.memory_space<semaphore_mem>>) src(%dma_wait3A_43 : memref<640x128xf32, #tpu.memory_space<vmem_shared>>) dst(%dma_wait3A_41 : memref<640x128xf32, #tpu.memory_space<hbm>>)
      tpu.yield
    }) : () -> ()
    return
  }
}

module attributes {stable_mosaic.version = 14 : i64} {
  func.func @body(%arg0: memref<10000x128xf32, #tpu.memory_space<vmem>>, %arg1: memref<128x256xf32, #tpu.memory_space<vmem>>, %arg2: memref<10000x128xf32, #tpu.memory_space<vmem>>, %arg3: memref<10000x128xf32, #tpu.memory_space<vmem>>) attributes {dimension_semantics = [], scalar_prefetch = 0 : i64, scratch_operands = 0 : i64, tpu.core_type = #tpu.core_type<tc>} {
    %get3A = arith.constant 0 : index
    %get3A_0 = arith.constant 0 : index
    %get3A_1 = vector.load %arg0[%get3A, %get3A_0] : memref<10000x128xf32, #tpu.memory_space<vmem>>, vector<10000x128xf32>
    %get3A_2 = arith.constant 0 : index
    %get3A_3 = arith.constant 0 : index
    %get3A_4 = vector.load %arg1[%get3A_2, %get3A_3] : memref<128x256xf32, #tpu.memory_space<vmem>>, vector<128x256xf32>
    %dot_general3A = arith.constant dense<0.000000e+00> : vector<10000x256xf32>
    %dot_general3A_5 = tpu.matmul %get3A_1, %get3A_4, %dot_general3A {dimension_numbers = #tpu.dot_dimension_numbers<[1], [0], [0], [1], [0, 0, 1, 1], [], []>, transpose_lhs_hint = false} : vector<10000x128xf32>, vector<128x256xf32>, vector<10000x256xf32> -> vector<10000x256xf32>
    %slice3A = vector.extract_strided_slice %dot_general3A_5 {offsets = [0, 0], sizes = [10000, 128], strides = [1, 1]} : vector<10000x256xf32> to vector<10000x128xf32>
    %swap3A = arith.constant 0 : index
    %swap3A_6 = arith.constant 0 : index
    %swap3A_7 = vector.load %arg2[%swap3A, %swap3A_6] : memref<10000x128xf32, #tpu.memory_space<vmem>>, vector<10000x128xf32>
    tpu.vector_store %arg2[%swap3A, %swap3A_6], %slice3A {strides = array<i32>} : memref<10000x128xf32, #tpu.memory_space<vmem>>, vector<10000x128xf32>,
    %slice3A_8 = vector.extract_strided_slice %dot_general3A_5 {offsets = [0, 128], sizes = [10000, 128], strides = [1, 1]} : vector<10000x256xf32> to vector<10000x128xf32>
    %swap3A_9 = arith.constant 0 : index
    %swap3A_10 = arith.constant 0 : index
    %swap3A_11 = vector.load %arg3[%swap3A_9, %swap3A_10] : memref<10000x128xf32, #tpu.memory_space<vmem>>, vector<10000x128xf32>
    tpu.vector_store %arg3[%swap3A_9, %swap3A_10], %slice3A_8 {strides = array<i32>} : memref<10000x128xf32, #tpu.memory_space<vmem>>, vector<10000x128xf32>,
    return
  }
}

module attributes {stable_mosaic.version = 14 : i64} {
  func.func @body(%arg0: i32, %arg1: memref<4000x32xf32, #tpu.memory_space<vmem>>, %arg2: memref<4000x128xf32, #tpu.memory_space<vmem>>, %arg3: memref<4000x128xf32, #tpu.memory_space<vmem>>, %arg4: memref<32x128xf32, #tpu.memory_space<vmem>>, %arg5: memref<128x256xf32, #tpu.memory_space<vmem>>, %arg6: memref<128x128xf32, #tpu.memory_space<vmem>>, %arg7: memref<1x128xf32, #tpu.memory_space<vmem>>, %arg8: memref<1x256xf32, #tpu.memory_space<vmem>>, %arg9: memref<1x128xf32, #tpu.memory_space<vmem>>, %arg10: memref<4000x128xf32, #tpu.memory_space<vmem>>) attributes {dimension_semantics = [#tpu.dimension_semantics<arbitrary>], iteration_bounds = array<i64: 80>, scalar_prefetch = 0 : i64, scratch_operands = 0 : i64, tpu.core_type = #tpu.core_type<tc>, window_params = [{transform_indices = @transform_0, window_bounds = array<i64: 4000, 32>}, {transform_indices = @transform_1, window_bounds = array<i64: 4000, 128>}, {transform_indices = @transform_2, window_bounds = array<i64: 4000, 128>}, {pipeline_mode = #tpu.pipeline_mode<synchronous>, transform_indices = @transform_3, window_bounds = array<i64: 32, 128>}, {pipeline_mode = #tpu.pipeline_mode<synchronous>, transform_indices = @transform_4, window_bounds = array<i64: 128, 256>}, {pipeline_mode = #tpu.pipeline_mode<synchronous>, transform_indices = @transform_5, window_bounds = array<i64: 128, 128>}, {pipeline_mode = #tpu.pipeline_mode<synchronous>, transform_indices = @transform_6, window_bounds = array<i64: 1, 128>}, {pipeline_mode = #tpu.pipeline_mode<synchronous>, transform_indices = @transform_7, window_bounds = array<i64: 1, 256>}, {pipeline_mode = #tpu.pipeline_mode<synchronous>, transform_indices = @transform_8, window_bounds = array<i64: 1, 128>}, {transform_indices = @transform_9, window_bounds = array<i64: 4000, 128>}]} {
    %get3A = arith.constant 0 : index
    %get3A_0 = arith.constant 0 : index
    %get3A_1 = vector.load %arg1[%get3A, %get3A_0] : memref<4000x32xf32, #tpu.memory_space<vmem>>, vector<4000x32xf32>
    %get3A_2 = arith.constant 0 : index
    %get3A_3 = arith.constant 0 : index
    %get3A_4 = vector.load %arg4[%get3A_2, %get3A_3] : memref<32x128xf32, #tpu.memory_space<vmem>>, vector<32x128xf32>
    %dot_general3A = arith.constant dense<0.000000e+00> : vector<4000x128xf32>
    %dot_general3A_5 = tpu.matmul %get3A_1, %get3A_4, %dot_general3A {dimension_numbers = #tpu.dot_dimension_numbers<[1], [0], [0], [1], [0, 0, 1, 1], [], []>, transpose_lhs_hint = false} : vector<4000x32xf32>, vector<32x128xf32>, vector<4000x128xf32> -> vector<4000x128xf32>
    %get3A_6 = arith.constant 0 : index
    %get3A_7 = arith.constant 0 : index
    %get3A_8 = vector.load %arg7[%get3A_6, %get3A_7] : memref<1x128xf32, #tpu.memory_space<vmem>>, vector<1x128xf32>
    %add3A = vector.broadcast %get3A_8 : vector<1x128xf32> to vector<4000x128xf32>
    %add3A_9 = arith.addf %dot_general3A_5, %add3A : vector<4000x128xf32>
    %logistic3A = arith.negf %add3A_9 : vector<4000x128xf32>
    %logistic3A_10 = math.exp %logistic3A : vector<4000x128xf32>
    %logistic3A_11 = arith.constant 1.000000e+00 : f32
    %logistic3A_12 = vector.broadcast %logistic3A_11 : f32 to vector<4000x128xf32>
    %logistic3A_13 = arith.addf %logistic3A_12, %logistic3A_10 : vector<4000x128xf32>
    %logistic3A_14 = arith.divf %logistic3A_12, %logistic3A_13 : vector<4000x128xf32>
    %mul3A = arith.mulf %add3A_9, %logistic3A_14 : vector<4000x128xf32>
    %get3A_15 = arith.constant 0 : index
    %get3A_16 = arith.constant 0 : index
    %get3A_17 = vector.load %arg5[%get3A_15, %get3A_16] : memref<128x256xf32, #tpu.memory_space<vmem>>, vector<128x256xf32>
    %dot_general3A_18 = arith.constant dense<0.000000e+00> : vector<4000x256xf32>
    %dot_general3A_19 = tpu.matmul %mul3A, %get3A_17, %dot_general3A_18 {dimension_numbers = #tpu.dot_dimension_numbers<[1], [0], [0], [1], [0, 0, 1, 1], [], []>, transpose_lhs_hint = false} : vector<4000x128xf32>, vector<128x256xf32>, vector<4000x256xf32> -> vector<4000x256xf32>
    %get3A_20 = arith.constant 0 : index
    %get3A_21 = arith.constant 0 : index
    %get3A_22 = vector.load %arg8[%get3A_20, %get3A_21] : memref<1x256xf32, #tpu.memory_space<vmem>>, vector<1x256xf32>
    %add3A_23 = vector.broadcast %get3A_22 : vector<1x256xf32> to vector<4000x256xf32>
    %add3A_24 = arith.addf %dot_general3A_19, %add3A_23 : vector<4000x256xf32>
    %get3A_25 = arith.constant 0 : index
    %get3A_26 = arith.constant 0 : index
    %get3A_27 = vector.load %arg2[%get3A_25, %get3A_26] : memref<4000x128xf32, #tpu.memory_space<vmem>>, vector<4000x128xf32>
    %get3A_28 = arith.constant 0 : index
    %get3A_29 = arith.constant 0 : index
    %get3A_30 = vector.load %arg3[%get3A_28, %get3A_29] : memref<4000x128xf32, #tpu.memory_space<vmem>>, vector<4000x128xf32>
    %add3A_31 = arith.addf %get3A_27, %get3A_30 : vector<4000x128xf32>
    %slice3A = vector.extract_strided_slice %add3A_24 {offsets = [0, 0], sizes = [4000, 128], strides = [1, 1]} : vector<4000x256xf32> to vector<4000x128xf32>
    %add3A_32 = arith.addf %add3A_31, %slice3A : vector<4000x128xf32>
    %slice3A_33 = vector.extract_strided_slice %add3A_24 {offsets = [0, 128], sizes = [4000, 128], strides = [1, 1]} : vector<4000x256xf32> to vector<4000x128xf32>
    %logistic3A_34 = arith.negf %slice3A_33 : vector<4000x128xf32>
    %logistic3A_35 = math.exp %logistic3A_34 : vector<4000x128xf32>
    %logistic3A_36 = arith.constant 1.000000e+00 : f32
    %logistic3A_37 = vector.broadcast %logistic3A_36 : f32 to vector<4000x128xf32>
    %logistic3A_38 = arith.addf %logistic3A_37, %logistic3A_35 : vector<4000x128xf32>
    %logistic3A_39 = arith.divf %logistic3A_37, %logistic3A_38 : vector<4000x128xf32>
    %logistic3A_40 = arith.negf %add3A_32 : vector<4000x128xf32>
    %logistic3A_41 = math.exp %logistic3A_40 : vector<4000x128xf32>
    %logistic3A_42 = arith.constant 1.000000e+00 : f32
    %logistic3A_43 = vector.broadcast %logistic3A_42 : f32 to vector<4000x128xf32>
    %logistic3A_44 = arith.addf %logistic3A_43, %logistic3A_41 : vector<4000x128xf32>
    %logistic3A_45 = arith.divf %logistic3A_43, %logistic3A_44 : vector<4000x128xf32>
    %mul3A_46 = arith.mulf %add3A_32, %logistic3A_45 : vector<4000x128xf32>
    %get3A_47 = arith.constant 0 : index
    %get3A_48 = arith.constant 0 : index
    %get3A_49 = vector.load %arg6[%get3A_47, %get3A_48] : memref<128x128xf32, #tpu.memory_space<vmem>>, vector<128x128xf32>
    %dot_general3A_50 = arith.constant dense<0.000000e+00> : vector<4000x128xf32>
    %dot_general3A_51 = tpu.matmul %mul3A_46, %get3A_49, %dot_general3A_50 {dimension_numbers = #tpu.dot_dimension_numbers<[1], [0], [0], [1], [0, 0, 1, 1], [], []>, transpose_lhs_hint = false} : vector<4000x128xf32>, vector<128x128xf32>, vector<4000x128xf32> -> vector<4000x128xf32>
    %get3A_52 = arith.constant 0 : index
    %get3A_53 = arith.constant 0 : index
    %get3A_54 = vector.load %arg9[%get3A_52, %get3A_53] : memref<1x128xf32, #tpu.memory_space<vmem>>, vector<1x128xf32>
    %add3A_55 = vector.broadcast %get3A_54 : vector<1x128xf32> to vector<4000x128xf32>
    %add3A_56 = arith.addf %dot_general3A_51, %add3A_55 : vector<4000x128xf32>
    %mul3A_57 = arith.mulf %add3A_56, %logistic3A_39 : vector<4000x128xf32>
    %swap3A = arith.constant 0 : index
    %swap3A_58 = arith.constant 0 : index
    %swap3A_59 = vector.load %arg10[%swap3A, %swap3A_58] : memref<4000x128xf32, #tpu.memory_space<vmem>>, vector<4000x128xf32>
    tpu.vector_store %arg10[%swap3A, %swap3A_58], %mul3A_57 {strides = array<i32>} : memref<4000x128xf32, #tpu.memory_space<vmem>>, vector<4000x128xf32>,
    return
  }
  func.func @transform_0(%arg0: i32) -> (i32, i32) {
    %c0_i32 = arith.constant 0 : i32
    %c0_i32_0 = arith.constant 0 : i32
    return %arg0, %c0_i32 : i32, i32
  }
  func.func @transform_1(%arg0: i32) -> (i32, i32) {
    %c0_i32 = arith.constant 0 : i32
    %c0_i32_0 = arith.constant 0 : i32
    return %arg0, %c0_i32 : i32, i32
  }
  func.func @transform_2(%arg0: i32) -> (i32, i32) {
    %c0_i32 = arith.constant 0 : i32
    %c0_i32_0 = arith.constant 0 : i32
    return %arg0, %c0_i32 : i32, i32
  }
  func.func @transform_3(%arg0: i32) -> (i32, i32) {
    %c0_i32 = arith.constant 0 : i32
    %c0_i32_0 = arith.constant 0 : i32
    %c0_i32_1 = arith.constant 0 : i32
    return %c0_i32, %c0_i32_0 : i32, i32
  }
  func.func @transform_4(%arg0: i32) -> (i32, i32) {
    %c0_i32 = arith.constant 0 : i32
    %c0_i32_0 = arith.constant 0 : i32
    %c0_i32_1 = arith.constant 0 : i32
    return %c0_i32, %c0_i32_0 : i32, i32
  }
  func.func @transform_5(%arg0: i32) -> (i32, i32) {
    %c0_i32 = arith.constant 0 : i32
    %c0_i32_0 = arith.constant 0 : i32
    %c0_i32_1 = arith.constant 0 : i32
    return %c0_i32, %c0_i32_0 : i32, i32
  }
  func.func @transform_6(%arg0: i32) -> (i32, i32) {
    %c0_i32 = arith.constant 0 : i32
    %c0_i32_0 = arith.constant 0 : i32
    %c0_i32_1 = arith.constant 0 : i32
    return %c0_i32, %c0_i32_0 : i32, i32
  }
  func.func @transform_7(%arg0: i32) -> (i32, i32) {
    %c0_i32 = arith.constant 0 : i32
    %c0_i32_0 = arith.constant 0 : i32
    %c0_i32_1 = arith.constant 0 : i32
    return %c0_i32, %c0_i32_0 : i32, i32
  }
  func.func @transform_8(%arg0: i32) -> (i32, i32) {
    %c0_i32 = arith.constant 0 : i32
    %c0_i32_0 = arith.constant 0 : i32
    %c0_i32_1 = arith.constant 0 : i32
    return %c0_i32, %c0_i32_0 : i32, i32
  }
  func.func @transform_9(%arg0: i32) -> (i32, i32) {
    %c0_i32 = arith.constant 0 : i32
    %c0_i32_0 = arith.constant 0 : i32
    return %arg0, %c0_i32 : i32, i32
  }
}

module attributes {stable_mosaic.version = 14 : i64} {
  func.func @body(%arg0: memref<10240x128xf32, #tpu.memory_space<vmem>>, %arg1: memref<10240x128xf32, #tpu.memory_space<vmem>>, %arg2: memref<10000x128xf32, #tpu.memory_space<vmem>>, %arg3: memref<256x128xf32, #tpu.memory_space<vmem>>, %arg4: memref<128x128xf32, #tpu.memory_space<vmem>>, %arg5: memref<1x128xf32, #tpu.memory_space<vmem>>, %arg6: memref<1x128xf32, #tpu.memory_space<vmem>>, %arg7: memref<1x128xf32, #tpu.memory_space<vmem>>, %arg8: memref<1x128xf32, #tpu.memory_space<vmem>>, %arg9: memref<10000x128xf32, #tpu.memory_space<vmem>>) attributes {dimension_semantics = [], scalar_prefetch = 0 : i64, scratch_operands = 0 : i64, tpu.core_type = #tpu.core_type<tc>} {
    %get3A = arith.constant 0 : index
    %get3A_0 = arith.constant 0 : index
    %get3A_1 = vector.load %arg2[%get3A, %get3A_0] : memref<10000x128xf32, #tpu.memory_space<vmem>>, vector<10000x128xf32>
    %get3A_2 = arith.constant 0 : index
    %get3A_3 = arith.constant 0 : index
    %get3A_4 = vector.load %arg0[%get3A_2, %get3A_3] : memref<10240x128xf32, #tpu.memory_space<vmem>>, vector<10240x128xf32>
    %slice3A = vector.extract_strided_slice %get3A_4 {offsets = [0, 0], sizes = [10000, 128], strides = [1, 1]} : vector<10240x128xf32> to vector<10000x128xf32>
    %get3A_5 = arith.constant 0 : index
    %get3A_6 = arith.constant 0 : index
    %get3A_7 = vector.load %arg1[%get3A_5, %get3A_6] : memref<10240x128xf32, #tpu.memory_space<vmem>>, vector<10240x128xf32>
    %slice3A_8 = vector.extract_strided_slice %get3A_7 {offsets = [0, 0], sizes = [10000, 128], strides = [1, 1]} : vector<10240x128xf32> to vector<10000x128xf32>
    %add3A = arith.addf %slice3A, %slice3A_8 : vector<10000x128xf32>
    %concatenate3A = tpu.concatenate %add3A, %get3A_1 in 1 : vector<10000x128xf32>, vector<10000x128xf32> -> vector<10000x256xf32>
    %get3A_9 = arith.constant 0 : index
    %get3A_10 = arith.constant 0 : index
    %get3A_11 = vector.load %arg3[%get3A_9, %get3A_10] : memref<256x128xf32, #tpu.memory_space<vmem>>, vector<256x128xf32>
    %dot_general3A = arith.constant dense<0.000000e+00> : vector<10000x128xf32>
    %dot_general3A_12 = tpu.matmul %concatenate3A, %get3A_11, %dot_general3A {dimension_numbers = #tpu.dot_dimension_numbers<[1], [0], [0], [1], [0, 0, 1, 1], [], []>, transpose_lhs_hint = false} : vector<10000x256xf32>, vector<256x128xf32>, vector<10000x128xf32> -> vector<10000x128xf32>
    %get3A_13 = arith.constant 0 : index
    %get3A_14 = arith.constant 0 : index
    %get3A_15 = vector.load %arg5[%get3A_13, %get3A_14] : memref<1x128xf32, #tpu.memory_space<vmem>>, vector<1x128xf32>
    %add3A_16 = vector.broadcast %get3A_15 : vector<1x128xf32> to vector<10000x128xf32>
    %add3A_17 = arith.addf %dot_general3A_12, %add3A_16 : vector<10000x128xf32>
    %logistic3A = arith.negf %add3A_17 : vector<10000x128xf32>
    %logistic3A_18 = math.exp %logistic3A : vector<10000x128xf32>
    %logistic3A_19 = arith.constant 1.000000e+00 : f32
    %logistic3A_20 = vector.broadcast %logistic3A_19 : f32 to vector<10000x128xf32>
    %logistic3A_21 = arith.addf %logistic3A_20, %logistic3A_18 : vector<10000x128xf32>
    %logistic3A_22 = arith.divf %logistic3A_20, %logistic3A_21 : vector<10000x128xf32>
    %mul3A = arith.mulf %add3A_17, %logistic3A_22 : vector<10000x128xf32>
    %get3A_23 = arith.constant 0 : index
    %get3A_24 = arith.constant 0 : index
    %get3A_25 = vector.load %arg4[%get3A_23, %get3A_24] : memref<128x128xf32, #tpu.memory_space<vmem>>, vector<128x128xf32>
    %dot_general3A_26 = arith.constant dense<0.000000e+00> : vector<10000x128xf32>
    %dot_general3A_27 = tpu.matmul %mul3A, %get3A_25, %dot_general3A_26 {dimension_numbers = #tpu.dot_dimension_numbers<[1], [0], [0], [1], [0, 0, 1, 1], [], []>, transpose_lhs_hint = false} : vector<10000x128xf32>, vector<128x128xf32>, vector<10000x128xf32> -> vector<10000x128xf32>
    %add3A_28 = arith.addf %get3A_1, %dot_general3A_27 : vector<10000x128xf32>
    %get3A_29 = arith.constant 0 : index
    %get3A_30 = arith.constant 0 : index
    %get3A_31 = vector.load %arg6[%get3A_29, %get3A_30] : memref<1x128xf32, #tpu.memory_space<vmem>>, vector<1x128xf32>
    %add3A_32 = vector.broadcast %get3A_31 : vector<1x128xf32> to vector<10000x128xf32>
    %add3A_33 = arith.addf %add3A_28, %add3A_32 : vector<10000x128xf32>
    %reduce_sum3A = arith.constant dense<0.000000e+00> : vector<10000xf32>
    %reduce_sum3A_34 = vector.multi_reduction <add>, %add3A_33, %reduce_sum3A [1] : vector<10000x128xf32> to vector<10000xf32>
    %broadcast_in_dim3A = vector.shape_cast %reduce_sum3A_34 : vector<10000xf32> to vector<10000x1xf32>
    %div3A = arith.constant 1.280000e+02 : f32
    %div3A_35 = vector.broadcast %div3A : f32 to vector<10000x1xf32>
    %div3A_36 = arith.divf %broadcast_in_dim3A, %div3A_35 : vector<10000x1xf32>
    %sub3A = vector.broadcast %div3A_36 : vector<10000x1xf32> to vector<10000x128xf32>
    %sub3A_37 = arith.subf %add3A_33, %sub3A : vector<10000x128xf32>
    %mul3A_38 = arith.mulf %sub3A_37, %sub3A_37 : vector<10000x128xf32>
    %reduce_sum3A_39 = arith.constant dense<0.000000e+00> : vector<10000xf32>
    %reduce_sum3A_40 = vector.multi_reduction <add>, %mul3A_38, %reduce_sum3A_39 [1] : vector<10000x128xf32> to vector<10000xf32>
    %broadcast_in_dim3A_41 = vector.shape_cast %reduce_sum3A_40 : vector<10000xf32> to vector<10000x1xf32>
    %div3A_42 = arith.constant 1.280000e+02 : f32
    %div3A_43 = vector.broadcast %div3A_42 : f32 to vector<10000x1xf32>
    %div3A_44 = arith.divf %broadcast_in_dim3A_41, %div3A_43 : vector<10000x1xf32>
    %add3A_45 = arith.constant 9.99999974E-6 : f32
    %add3A_46 = vector.broadcast %add3A_45 : f32 to vector<10000x1xf32>
    %add3A_47 = arith.addf %div3A_44, %add3A_46 : vector<10000x1xf32>
    %rsqrt3A = math.rsqrt %add3A_47 : vector<10000x1xf32>
    %mul3A_48 = vector.broadcast %rsqrt3A : vector<10000x1xf32> to vector<10000x128xf32>
    %mul3A_49 = arith.mulf %sub3A_37, %mul3A_48 : vector<10000x128xf32>
    %get3A_50 = arith.constant 0 : index
    %get3A_51 = arith.constant 0 : index
    %get3A_52 = vector.load %arg7[%get3A_50, %get3A_51] : memref<1x128xf32, #tpu.memory_space<vmem>>, vector<1x128xf32>
    %mul3A_53 = vector.broadcast %get3A_52 : vector<1x128xf32> to vector<10000x128xf32>
    %mul3A_54 = arith.mulf %mul3A_49, %mul3A_53 : vector<10000x128xf32>
    %get3A_55 = arith.constant 0 : index
    %get3A_56 = arith.constant 0 : index
    %get3A_57 = vector.load %arg8[%get3A_55, %get3A_56] : memref<1x128xf32, #tpu.memory_space<vmem>>, vector<1x128xf32>
    %add3A_58 = vector.broadcast %get3A_57 : vector<1x128xf32> to vector<10000x128xf32>
    %add3A_59 = arith.addf %mul3A_54, %add3A_58 : vector<10000x128xf32>
    %swap3A = arith.constant 0 : index
    %swap3A_60 = arith.constant 0 : index
    %swap3A_61 = vector.load %arg9[%swap3A, %swap3A_60] : memref<10000x128xf32, #tpu.memory_space<vmem>>, vector<10000x128xf32>
    tpu.vector_store %arg9[%swap3A, %swap3A_60], %add3A_59 {strides = array<i32>} : memref<10000x128xf32, #tpu.memory_space<vmem>>, vector<10000x128xf32>,
    return
  }
}

</mosaic_0001>

<sc_bundles>
// kernel: kernel.10.cloned.1.call-start
scs
__scs_entry_jumppad:
0x0: {  	(pc) =	sbr.rel $0x88, $3  }
0x1: {  	(tag) =	ssettag $0x0;
	lr =	simm.s32 $0x1  }
0x2: {  	[smem:$0x3F8E] =	sst lr;
	_ =	strace $0xD0000000  }
0x3: {  	_ = 	snop  }
0x4: {  	_ = 	snop  }
0x5: {  	_ = 	snop  }
0x6: {  	_ = 	snop  }
0x7: {  	_ = 	snop  }
__scs_overlays_trampoline_lowered:
0x8: {  	[smem:$0x3F9D] =	sst s0  }
0x9: {  	[smem:$0x3F9E] =	sst s1  }
0xa: {  	[smem:$0x3F9F] =	sst s2  }
0xb: {  	[smem:$0x3FA0] =	sst s3  }
0xc: {  	[smem:$0x3FA1] =	sst s4  }
0xd: {  	[smem:$0x3FA2] =	sst s5  }
0xe: {  	[smem:$0x3FA3] =	sst s6  }
0xf: {  	[smem:$0x3FA4] =	sst s7  }
0x10: {  	[smem:$0x3FA5] =	sst s8  }
0x11: {  	[smem:$0x3FA6] =	sst s9;
	s0 =	simm.s32 @!p0 $0x0  }
0x12: {  	s1 =	sld [smem:$0x3F8C];
	s0 =	simm.s32 @p0 $0x1  }
0x13: {  	[smem:$0x3FA7] =	sst s0;
	s0 =	simm.s32 @!p1 $0x0  }
0x14: {  	s2 =	sld [smem:$0x3F8B];
	s0 =	simm.s32 @p1 $0x1  }
0x15: {  	[smem:$0x3FA8] =	sst s0;
	s0 =	simm.s32 @!p2 $0x0  }
0x16: {  	s3 =	sld [smem:$0x3FDB];
	s0 =	simm.s32 @p2 $0x1  }
0x17: {  	s4 =	simm.s32 $0x1BF5;
	[smem:$0x3FAA] =	sst s0  }
0x18: {  	s0 =	sld [smem:$0x3F8D];
	_ =	swait.ge [sflag:s4], $0x0  }
0x19: {  	s7 =	sld [smem:$0x3F8E]  }
0x1a: {  	s8 =	sadd.s32 $0xFFFFE003, lr  }
0x1b: {  	s9 =	sadd.s32 $0xFFFFFEF7, lr;
	s5 =	simm.s32 $0xFFFFFFFF;
	p2 =	slt.u32 s8, $0xFFFFF086  }
0x1c: {  	p1 =	slt.u32 s9, $0xF7A;
	s5 =	simm.s32 @!p2 $0x0  }
0x1d: {  	s5 =	simm.s32 @p1 $0x1;
	p0 =	seq.s32 s7, s2  }
0x1e: {  	s7 =	smul.u32 @!p0 $0xF7A, s2;
	p2 =	seq.s32 @!p0 s5, $0x0  }
0x1f: {  	s9 =	smul.u32 $0xF7A, s1;
	s8 =	simm.s32 @!p0 $0x1BF5;
	p2 =	por !p2, p0  }
0x20: {  	[sflag:s8] =	ssyncset.s32 @!p0 $0xFFFFF086;
	s6 =	sadd.s32 @!p0 s3, s7;
	s7 =	simm.s32 @!p0 $0x108  }
0x21: {  	s3 =	sadd.s32 s3, s9;
	s6 =	sadd.s32 @!p0 $0x88, s6;
	s7 =	simm.s32 @p2 $0x1082  }
0x22: {  	[simem:s7], [sflag:s8] =	dma.local @!p0 [hbm:s6], $0xF7A  }
0x23: {  	s9 =	sor.u32 $0xD0000000, s2;
	s6 =	simm.s32 $0x108;
	_ =	swait.ge @!p0 [sflag:s8], $0x0  }
0x24: {  	s3 =	sadd.s32 $0x88, s3;
	s6 =	simm.s32 @!p1 $0x1082;
	[sflag:s4] =	ssyncset.s32 $0xFFFFF086  }
0x25: {  	[simem:s6], [sflag:s4] =	dma.local [hbm:s3], $0xF7A  }
0x26: {  	[smem:$0x3F8E] =	sst s1;
	(tag) =	ssettag s2;
	_ =	strace s9  }
0x27: {  	s1 =	sld [smem:$0x3F9E]  }
0x28: {  	s2 =	sld [smem:$0x3F9F]  }
0x29: {  	s4 =	sld [smem:$0x3FA1]  }
0x2a: {  	p0 =	seq.s32 s5, $0x0;
	s5 =	sld [smem:$0x3FA2]  }
0x2b: {  	s6 =	sld [smem:$0x3FA3]  }
0x2c: {  	s7 =	sld [smem:$0x3FA4]  }
0x2d: {  	s3 =	simm.s32 $0x108;
	s8 =	sld [smem:$0x3FA5]  }
0x2e: {  	s3 =	simm.s32 @!p0 $0x1082;
	s9 =	sld [smem:$0x3FA6]  }
0x2f: {  	lr =	sadd.s32 s0, s3;
	s0 =	sld [smem:$0x3F9D]  }
0x30: {  	s3 =	sld [smem:$0x3FA0]  }
0x31: {  	[smem:$0x3FA9] =	sst s10  }
0x32: {  	s10 =	sld [smem:$0x3FA7];
	_ =	sdelay $0x3  }
0x33: {  	p0 =	seq.s32 s10, $0x1;
	s10 =	sld [smem:$0x3FA9];
	_ =	sdelay $0x3  }
0x34: {  	[smem:$0x3FA9] =	sst s10  }
0x35: {  	s10 =	sld [smem:$0x3FA8];
	_ =	sdelay $0x3  }
0x36: {  	p1 =	seq.s32 s10, $0x1;
	s10 =	sld [smem:$0x3FA9];
	_ =	sdelay $0x3  }
0x37: {  	[smem:$0x3FA9] =	sst s10  }
0x38: {  	s10 =	sld [smem:$0x3FAA]  }
0x39: {  	_ = 	snop;
	(pc) =	sbr.ind lr, $3  }
0x3a: {  	_ = 	snop  }
0x3b: {  	_ = 	snop  }
0x3c: {  	p2 =	seq.s32 s10, $0x1;
	s10 =	sld [smem:$0x3FA9]  }
0x3d: {  	_ =	shalt  }
0x3e: {  	_ =	shalt  }
0x3f: {  	_ =	shalt  }
0x40: {  	_ =	shalt  }
0x41: {  	_ =	shalt  }
0x42: {  	_ =	shalt  }
0x43: {  	_ =	shalt  }
0x44: {  	_ =	shalt  }
0x45: {  	_ =	shalt  }
0x46: {  	_ =	shalt  }
0x47: {  	_ =	shalt  }
0x48: {  	_ =	shalt  }
0x49: {  	_ =	shalt  }
0x4a: {  	_ =	shalt  }
0x4b: {  	_ =	shalt  }
0x4c: {  	_ =	shalt  }
0x4d: {  	_ =	shalt  }
0x4e: {  	_ =	shalt  }
0x4f: {  	_ =	shalt  }
0x50: {  	_ =	shalt  }
0x51: {  	_ =	shalt  }
0x52: {  	_ =	shalt  }
0x53: {  	_ =	shalt  }
0x54: {  	_ =	shalt  }
0x55: {  	_ =	shalt  }
0x56: {  	_ =	shalt  }
0x57: {  	_ =	shalt  }
0x58: {  	_ =	shalt  }
0x59: {  	_ =	shalt  }
0x5a: {  	_ =	shalt  }
0x5b: {  	_ =	shalt  }
0x5c: {  	_ =	shalt  }
0x5d: {  	_ =	shalt  }
0x5e: {  	_ =	shalt  }
0x5f: {  	_ =	shalt  }
0x60: {  	_ =	shalt  }
0x61: {  	_ =	shalt  }
0x62: {  	_ =	shalt  }
0x63: {  	_ =	shalt  }
0x64: {  	_ =	shalt  }
0x65: {  	_ =	shalt  }
0x66: {  	_ =	shalt  }
0x67: {  	_ =	shalt  }
0x68: {  	_ =	shalt  }
0x69: {  	_ =	shalt  }
0x6a: {  	_ =	shalt  }
0x6b: {  	_ =	shalt  }
0x6c: {  	_ =	shalt  }
0x6d: {  	_ =	shalt  }
0x6e: {  	_ =	shalt  }
0x6f: {  	_ =	shalt  }
0x70: {  	_ =	shalt  }
0x71: {  	_ =	shalt  }
0x72: {  	_ =	shalt  }
0x73: {  	_ =	shalt  }
0x74: {  	_ =	shalt  }
0x75: {  	_ =	shalt  }
0x76: {  	_ =	shalt  }
0x77: {  	_ =	shalt  }
0x78: {  	_ =	shalt  }
0x79: {  	_ =	shalt  }
0x7a: {  	_ =	shalt  }
0x7b: {  	_ =	shalt  }
0x7c: {  	_ =	shalt  }
0x7d: {  	_ =	shalt  }
0x7e: {  	_ =	shalt  }
0x7f: {  	_ =	shalt  }
0x80: {  	_ =	shalt  }
0x81: {  	_ =	shalt  }
0x82: {  	_ =	shalt  }
0x83: {  	_ =	shalt  }
0x84: {  	_ =	shalt  }
0x85: {  	_ =	shalt  }
0x86: {  	_ =	shalt  }
0x87: {  	_ =	shalt  }
.Lfunc_end0:
.L_simem_size_0:
called_computation.1_lowered:
.L_overlay_start_0:
0x88: {  	s2 =	sld [smem:$0x3FD9]  }
0x89: {  	s3 =	sld [smem:$0x3FFE];
	_ =	sdelay $0x1  }
0x8a: {  	s1 =	srdreg.scid  }
0x8b: {  	s0 =	sand.u32 $0x1, s1  }
0x8c: {  	s16 =	sshll.u32 s0, $0xA;
	s2 =	sadd.s32 s3, s2  }
0x8d: {  	s2 =	sadd.s32 s2, s16  }
0x8e: {  	[smem:$0x3FB5] =	sst s2  }
0x8f: {  	_ = 	snop  }
0x90: {  	(tm) =	ssettm $0x1  }
0x91: {  	s17 =	sld [smem:$0x3FFB];
	_ =	sdelay $0x3  }
0x92: {  	_ =	strace s17  }
0x93: {  	s2 =	sld [smem:$0x3FFC];
	_ =	sdelay $0x3  }
0x94: {  	_ =	strace s2  }
0x95: {  	s2 =	sld [smem:$0x3FFD];
	_ =	sdelay $0x3  }
0x96: {  	_ =	strace s2  }
0x97: {  	_ =	strace $0x8FFFFFFF  }
0x98: {  	s18 =	sld [smem:$0x3FDB];
	_ =	sdelay $0x1  }
0x99: {  	s19 =	simm.s32 $_scs_section_size  }
0x9a: {  	s4 =	simm.s32 $_size__tile_overlayer_lowered;
	s5 =	simm.s32 $_tile_overlayer_lowered  }
0x9b: {  	s22 =	simm.s32 $0x1BFF;
	s21 =	sshll.u32 s5, $0x1;
	s2 =	sadd.s32 s19, s18  }
0x9c: {  	s6 =	simm.s32 $0x0;
	s20 =	sshll.u32 s4, $0x1;
	s4 =	sadd.s32 s21, s2  }
0x9d: {  	[timem:s6], [sflag:s22] =	dma.local [hbm:s4], s20  }
0x9e: {  	_ =	swait.ge [sflag:s22], s20  }
0x9f: {  	s3 =	ssub.s32 $0x0, s20;
	[sflag:s22] =	ssyncset.done $0x0  }
0xa0: {  	[sflag:s22] =	ssyncadd.s32 s3;
	_ =	sdelay $0x1  }
0xa1: {  	s23 =	simm.s32 $0x1B8B  }
0xa2: {  	_ =	swait.ge [sflag:s23], $0x1  }
0xa3: {  	[sflag:s23] =	ssyncset.done $0x0  }
0xa4: {  	s25 =	simm.s32 $0x1B8E;
	s24 =	sld [smem:$0x3FFE];
	[sflag:s23] =	ssyncadd.s32 $0xFFFFFFFF  }
0xa5: {  	s26 =	simm.s32 $execute0_lowered;
	[smem:$0x3FD2] =	sst s25  }
0xa6: {  	s4 =	sshll.u32 s26, $0x1;
	_ =	strace $0x80000049;
	[dreg:$0x1] =	wrdreg $0xFFFFFFFF  }
0xa7: {  	s28 =	simm.s32 $_size_execute0_lowered;
	s2 =	sadd.s32 s2, s4;
	[dreg:$0x0] =	wrdreg $0x0  }
0xa8: {  	s4 =	sshll.u32 s28, $0x1;
	[dreg:$0x2] =	wrdreg s2  }
0xa9: {  	[dreg:$0x3] =	wrdreg s4  }
0xaa: {  	[dreg:$0x4] =	wrdreg $0xC0  }
0xab: {  	_ =	task [dreg:s6], $0x5FFFF  }
0xac: {  	[dreg:$0x1] =	wrdreg $0xFFFFFFFF  }
0xad: {  	[dreg:$0x0] =	wrdreg $0x60  }
0xae: {  	[dreg:$0x2] =	wrdreg s24  }
0xaf: {  	[dreg:$0x3] =	wrdreg $0x0  }
0xb0: {  	[dreg:$0x4] =	wrdreg $0x9  }
0xb1: {  	_ =	task.clear_ibuf [dreg:s6], $0x5FFFF;
	_ =	strace $0x90000049  }
0xb2: {  	s29 =	simm.s32 $0x9;
	_ =	strace $0x8000004B  }
0xb3: {  	_ =	swait.ge [sflag:s29], $0x1  }
0xb4: {  	[sflag:s29] =	ssyncadd.s32 $0xFFFFFFFF  }
0xb5: {  	_ =	strace $0x9000004B  }
0xb6: {  	_ =	sfence  }
0xb7: {  	s30 =	sld [smem:$0x0];
	_ =	sdelay $0x2  }
0xb8: {  	s31 =	sshll.u32 s1, $0xD;
	s1 =	sshrl.u32 s1, $0x2  }
0xb9: {  	s3 =	sand.u32 $0x4000, s31;
	s1 =	sadd.s32 s1, s30  }
0xba: {  	s0 =	sor.u32 s3, s0;
	s1 =	sshll.u32 s1, $0x11  }
0xbb: {  	s0 =	sor.u32 s1, s0  }
0xbc: {  	s0 =	sadd.s32 $0x8F2B, s0  }
0xbd: {  	[sflag:s0] =	ssyncadd.remote.s32 $0x1  }
0xbe: {  	_ =	sfence.sel $0xFFFF  }
0xbf: {  	[dreg:$0x0] =	wrdreg $0xFFFFFFFF;
	(pc) =	sbr.abs _section_cstart, $3  }
0xc0: {  	[dreg:$0x1] =	wrdreg $0xFFFFFFFF  }
0xc1: {  	_ =	task.clear_ibuf [dreg:s6], $0x2FFFF;
	_ =	strace $0x9FFFFFFF  }
0xc2: {  	(tm) =	ssettm $0x7FFFFFFF  }
0xc3: {  	_ =	shalt  }
tec
execute0_lowered:
.L_overlay_start_1:
0x0: {  	(tag) =	ssettag $0x1  }
0x1: {  	s4 =	rddreg [dreg:$0x0]  }
0x2: {  	s2 =	rddreg [dreg:$0x1]  }
0x3: {  	s0 =	rddreg [dreg:$0x2]  }
0x4: {  	s5 =	srdreg.scid;
	s1 =	stileid.u32  }
0x5: {  	s3 =	simm.s32 $0x0;
	s15 =	simm.s32 $0x1A800;
	s16 =	simm.s32 $0x50  }
0x6: {  	s17 =	simm.s32 $0x17E00;
	s5 =	sand.u32 $0x1, s5;
	s18 =	smul.u32 $0x2800, s1  }
0x7: {  	s6 =	sshll.u32 s1, $0x1;
	[smem:$0x7FF] =	sst s3;
	s10 =	smul.u32 $0x50000, s1  }
0x8: {  	s9 =	sadd.s32 $0xEF4400, s4;
	s14 =	smul.u32 $0x4E200, s1;
	s29 =	sshll.u32 s1, $0x6  }
0x9: {  	s6 =	sor.u32 s5, s6;
	_ =	strace $0x8000004A;
	s8 =	smul.u32 $0x28000, s5  }
0xa: {  	s28 =	ssub.s32 $0x2, s5;
	s30 =	smul.u32 $0x27100, s5;
	s5 =	sor.u32 $0x1C02, s29  }
0xb: {  	s7 =	sshll.u32 s6, $0xB;
	s11 =	sadd.s32 s18, s4;
	s12 =	sshrl.u32 s28, $0x1  }
0xc: {  	s10 =	sshrl.u32 s10, $0x2;
	s13 =	smul.u32 $0x27100, s6;
	s14 =	sadd.s32 s14, s9  }
0xd: {  	s7 =	sadd.s32 s7, s4;
	s8 =	sadd.s32 s8, s4;
	s12 =	ssub.s32 s28, s12  }
0xe: {  	s10 =	sadd.s32 s10, s2;
	s4 =	sadd.s32 $0xA12400, s11;
	s31 =	sadd.s32 s30, s14  }
0xf: {  	s11 =	simm.s32 $0x2;
	s14 =	simm.s32 $0x1;
	s6 =	sadd.s32 $0xA02400, s7  }
0x10: {  	s7 =	sadd.s32 s9, s13;
	s19 =	sadd.s32 $0xA3A400, s8;
	s8 =	smax.u32 s12, $0x1  }
0x11: {  	s9 =	sadd.s32 $0xA00, s31;
	s10 =	sshrl.u32 s10, $0x3;
	s12 =	simm.s32 $0x14000  }
0x12: {  	s13 =	simm.s32 $0x18000;
	s18 =	sadd.s32 s18, s19;
	s19 =	simm.s32 $0x0  }
.LBB2_1:
0x13: {  	[spmem:s10], [sflag:s5] =	dma.local [hbm:s4], $0x2800  }
0x14: {  	_ =	swait.ge [sflag:s11], $0x2800  }
0x15: {  	[sflag:s11] =	ssyncset.done $0x0  }
0x16: {  	[sflag:s11] =	ssyncadd.s32 $0xFFFFD800  }
0x17: {  	[tilespmem:s12], [sflag:$0x2] =	stream.linear.gather [hbm4b:s6+s3], $0x3E80, $0x38;
	[tilespmem:$0x1D000] =	vst v63  }
0x18: {  	_ =	swait.ge [sflag:s11], $0x3E80  }
0x19: {  	[sflag:s11] =	ssyncset.done $0x0  }
0x1a: {  	[sflag:s11] =	ssyncadd.s32 $0xFFFFC180  }
0x1b: {  	[bflag:$0x0] =	sbarrier.arrive $0xFFFF  }
0x1c: {  	[tilespmem:s13], [sflag:$0x1] =	stream.linear.gather [hbm4b:s7+s3], $0x2800, $0x38;
	[tilespmem:$0x1D000] =	vst v63  }
0x1d: {  	_ =	swait.ge [sflag:s14], $0x2800  }
0x1e: {  	[sflag:s14] =	ssyncset.done $0x0  }
0x1f: {  	s20 =	sadd.s32 $0xFFFFFB00, s9;
	[sflag:s14] =	ssyncadd.s32 $0xFFFFD800  }
0x20: {  	[tilespmem:s15], [sflag:$0x1] =	stream.linear.gather [hbm4b:s20+s3], $0x2800, $0x38;
	[tilespmem:$0x1D000] =	vst v63  }
0x21: {  	s30 =	simm.s32 $0x14000  }
0x22: {  	[spmem:s2] =	stream.indirect.scatter.add.f32 [tilespmem:s13], [sflag:$0x2], $0x80, s30, s16, $0xb8;
	[tilespmem:$0x1D000] =	vst v63  }
0x23: {  	_ =	swait.ge [sflag:s11], $0x2800  }
0x24: {  	[sflag:s11] =	ssyncset.done $0x0  }
0x25: {  	[sflag:s11] =	ssyncadd.s32 $0xFFFFD800  }
0x26: {  	_ =	swait.ge [sflag:s14], $0x2800  }
0x27: {  	[sflag:s14] =	ssyncset.done $0x0  }
0x28: {  	[sflag:s14] =	ssyncadd.s32 $0xFFFFD800  }
0x29: {  	[tilespmem:s13], [sflag:$0x1] =	stream.linear.gather [hbm4b:s9+s3], $0x2800, $0x38;
	[tilespmem:$0x1D000] =	vst v63  }
0x2a: {  	s31 =	simm.s32 $0x14080  }
0x2b: {  	[spmem:s2] =	stream.indirect.scatter.add.f32 [tilespmem:s15], [sflag:$0x2], $0x80, s31, s16, $0xb8;
	[tilespmem:$0x1D000] =	vst v63  }
0x2c: {  	_ =	swait.ge [sflag:s11], $0x2800  }
0x2d: {  	s21 =	smov.u32 s9;
	s20 =	simm.s32 $0x400;
	[sflag:s11] =	ssyncset.done $0x0  }
.LBB2_2:
0x2e: {  	p0 =	sne.s32 s20, $0xF400;
	[sflag:s11] =	ssyncadd.s32 $0xFFFFD800;
	s21 =	sadd.s32 $0xA00, s21  }
0x2f: {  	s22 =	smov.u32 s20;
	s20 =	sadd.s32 $0x400, s20  }
0x30: {  	_ =	swait.ge [sflag:s14], $0x2800  }
0x31: {  	[sflag:s14] =	ssyncset.done $0x0  }
0x32: {  	s23 =	sadd.s32 $0xFFFFFB00, s21;
	s22 =	sshra.s32 s22, $0x2;
	[sflag:s14] =	ssyncadd.s32 $0xFFFFD800  }
0x33: {  	[tilespmem:s15], [sflag:$0x1] =	stream.linear.gather [hbm4b:s23+s3], $0x2800, $0x38;
	[tilespmem:$0x1D000] =	vst v63  }
0x34: {  	s23 =	sadd.s32 $0x14000, s22  }
0x35: {  	[spmem:s2] =	stream.indirect.scatter.add.f32 [tilespmem:s13], [sflag:$0x2], $0x80, s23, s16, $0xb8;
	[tilespmem:$0x1D000] =	vst v63  }
0x36: {  	_ =	swait.ge [sflag:s11], $0x2800  }
0x37: {  	[sflag:s11] =	ssyncset.done $0x0  }
0x38: {  	[sflag:s11] =	ssyncadd.s32 $0xFFFFD800  }
0x39: {  	_ =	swait.ge [sflag:s14], $0x2800  }
0x3a: {  	[sflag:s14] =	ssyncset.done $0x0  }
0x3b: {  	[sflag:s14] =	ssyncadd.s32 $0xFFFFD800  }
0x3c: {  	[tilespmem:s13], [sflag:$0x1] =	stream.linear.gather [hbm4b:s21+s3], $0x2800, $0x38;
	[tilespmem:$0x1D000] =	vst v63  }
.Ltmp0:
0x3d: {  	_ = 	snop;
	(pc) =	sbr.rel @p0 .LBB2_2-.Ltmp0, $4  }
0x3e: {  	s22 =	sadd.s32 $0x14080, s22  }
0x3f: {  	[spmem:s2] =	stream.indirect.scatter.add.f32 [tilespmem:s15], [sflag:$0x2], $0x80, s22, s16, $0xb8;
	[tilespmem:$0x1D000] =	vst v63  }
0x40: {  	_ =	swait.ge [sflag:s11], $0x2800  }
0x41: {  	[sflag:s11] =	ssyncset.done $0x0  }
0x42: {  	[sflag:s11] =	ssyncadd.s32 $0xFFFFD800  }
0x43: {  	_ =	swait.ge [sflag:s14], $0x2800  }
0x44: {  	[sflag:s14] =	ssyncset.done $0x0  }
0x45: {  	[sflag:s14] =	ssyncadd.s32 $0xFFFFD800  }
0x46: {  	[spmem:s2] =	stream.indirect.scatter.add.f32 [tilespmem:s13], [sflag:$0x2], $0x80, s17, s16, $0xb8;
	[tilespmem:$0x1D000] =	vst v63  }
0x47: {  	_ =	swait.ge [sflag:s11], $0x2800  }
0x48: {  	s19 =	sadd.s32 $0x1, s19;
	[sflag:s11] =	ssyncset.done $0x0  }
0x49: {  	p0 =	sne.s32 s19, s8;
	[sflag:s11] =	ssyncadd.s32 $0xFFFFD800  }
.Ltmp1:
0x4a: {  	[bflag:$0x0] =	sbarrier.arrive $0xFFFF;
	(pc) =	sbr.rel @p0 .LBB2_1-.Ltmp1, $4  }
0x4b: {  	[hbm:s18], [sflag:s5] =	dma.local [spmem:s10], $0x2800  }
0x4c: {  	_ =	swait.ge [sflag:s11], $0x2800  }
0x4d: {  	[sflag:s11] =	ssyncset.done $0x0  }
0x4e: {  	[sflag:s11] =	ssyncadd.s32 $0xFFFFD800  }
0x4f: {  	_ =	sfence.sel $0x180000  }
0x50: {  	[bflag:$0x0] =	sbarrier.arrive $0xFFFF  }
0x51: {  	p0 =	sne.s32 s1, $0x0;
	_ =	strace $0x9000004A  }
0x52: {  	s0 =	sadd.s32 @!p0 $0x100000, s0;
	[bflag:$0x2] =	sbarrier.arrive $0xFFFF  }
0x53: {  	[sflag:s0] =	ssyncadd.tile.s32 @!p0 $0x1;
	_ =	shalt  }
.Lfunc_end2:
_tile_overlayer_lowered:
.L_overlay_start_2:
0x54: {  	(tag) =	ssettag $0x2  }
0x55: {  	s0 =	rddreg [dreg:$0x0];
	s2 =	stileid.u32  }
0x56: {  	s1 =	rddreg [dreg:$0x1];
	p0 =	sne.s32 s2, $0x0  }
0x57: {  	s3 =	rddreg [dreg:$0x2];
	[bflag:$0x3] =	sbarrier.arrive $0xFFFF;
	s2 =	simm.s32 @!p0 $0x1C02  }
0x58: {  	[timem:s3], [sflag:s2] =	dma.local @!p0 [hbm:s0], s1  }
0x59: {  	s0 =	simm.s32 @!p0 $0x2  }
0x5a: {  	_ =	swait.ge @!p0 [sflag:s0], s1  }
0x5b: {  	s1 =	ssub.s32 @!p0 $0x0, s1;
	[sflag:s0] =	ssyncset.done @!p0 $0x0  }
0x5c: {  	[sflag:s0] =	ssyncadd.s32 @!p0 s1  }
0x5d: {  	[bflag:$0x3] =	sbarrier.arrive $0xFFFF  }
0x5e: {  	_ =	shalt  }

// kernel: kernel.7.cloned.1.call-start
scs
__scs_entry_jumppad:
0x0: {  	(pc) =	sbr.rel $0x88, $3  }
0x1: {  	(tag) =	ssettag $0x0;
	lr =	simm.s32 $0x1  }
0x2: {  	[smem:$0x3F8E] =	sst lr;
	_ =	strace $0xD0000000  }
0x3: {  	_ = 	snop  }
0x4: {  	_ = 	snop  }
0x5: {  	_ = 	snop  }
0x6: {  	_ = 	snop  }
0x7: {  	_ = 	snop  }
__scs_overlays_trampoline_lowered:
0x8: {  	[smem:$0x3F9D] =	sst s0  }
0x9: {  	[smem:$0x3F9E] =	sst s1  }
0xa: {  	[smem:$0x3F9F] =	sst s2  }
0xb: {  	[smem:$0x3FA0] =	sst s3  }
0xc: {  	[smem:$0x3FA1] =	sst s4  }
0xd: {  	[smem:$0x3FA2] =	sst s5  }
0xe: {  	[smem:$0x3FA3] =	sst s6  }
0xf: {  	[smem:$0x3FA4] =	sst s7  }
0x10: {  	[smem:$0x3FA5] =	sst s8  }
0x11: {  	[smem:$0x3FA6] =	sst s9;
	s0 =	simm.s32 @!p0 $0x0  }
0x12: {  	s1 =	sld [smem:$0x3F8C];
	s0 =	simm.s32 @p0 $0x1  }
0x13: {  	[smem:$0x3FA7] =	sst s0;
	s0 =	simm.s32 @!p1 $0x0  }
0x14: {  	s2 =	sld [smem:$0x3F8B];
	s0 =	simm.s32 @p1 $0x1  }
0x15: {  	[smem:$0x3FA8] =	sst s0;
	s0 =	simm.s32 @!p2 $0x0  }
0x16: {  	s3 =	sld [smem:$0x3FDB];
	s0 =	simm.s32 @p2 $0x1  }
0x17: {  	s4 =	simm.s32 $0x1BF5;
	[smem:$0x3FAA] =	sst s0  }
0x18: {  	s0 =	sld [smem:$0x3F8D];
	_ =	swait.ge [sflag:s4], $0x0  }
0x19: {  	s7 =	sld [smem:$0x3F8E]  }
0x1a: {  	s8 =	sadd.s32 $0xFFFFE003, lr  }
0x1b: {  	s9 =	sadd.s32 $0xFFFFFEF7, lr;
	s5 =	simm.s32 $0xFFFFFFFF;
	p2 =	slt.u32 s8, $0xFFFFF086  }
0x1c: {  	p1 =	slt.u32 s9, $0xF7A;
	s5 =	simm.s32 @!p2 $0x0  }
0x1d: {  	s5 =	simm.s32 @p1 $0x1;
	p0 =	seq.s32 s7, s2  }
0x1e: {  	s7 =	smul.u32 @!p0 $0xF7A, s2;
	p2 =	seq.s32 @!p0 s5, $0x0  }
0x1f: {  	s9 =	smul.u32 $0xF7A, s1;
	s8 =	simm.s32 @!p0 $0x1BF5;
	p2 =	por !p2, p0  }
0x20: {  	[sflag:s8] =	ssyncset.s32 @!p0 $0xFFFFF086;
	s6 =	sadd.s32 @!p0 s3, s7;
	s7 =	simm.s32 @!p0 $0x108  }
0x21: {  	s3 =	sadd.s32 s3, s9;
	s6 =	sadd.s32 @!p0 $0x88, s6;
	s7 =	simm.s32 @p2 $0x1082  }
0x22: {  	[simem:s7], [sflag:s8] =	dma.local @!p0 [hbm:s6], $0xF7A  }
0x23: {  	s9 =	sor.u32 $0xD0000000, s2;
	s6 =	simm.s32 $0x108;
	_ =	swait.ge @!p0 [sflag:s8], $0x0  }
0x24: {  	s3 =	sadd.s32 $0x88, s3;
	s6 =	simm.s32 @!p1 $0x1082;
	[sflag:s4] =	ssyncset.s32 $0xFFFFF086  }
0x25: {  	[simem:s6], [sflag:s4] =	dma.local [hbm:s3], $0xF7A  }
0x26: {  	[smem:$0x3F8E] =	sst s1;
	(tag) =	ssettag s2;
	_ =	strace s9  }
0x27: {  	s1 =	sld [smem:$0x3F9E]  }
0x28: {  	s2 =	sld [smem:$0x3F9F]  }
0x29: {  	s4 =	sld [smem:$0x3FA1]  }
0x2a: {  	p0 =	seq.s32 s5, $0x0;
	s5 =	sld [smem:$0x3FA2]  }
0x2b: {  	s6 =	sld [smem:$0x3FA3]  }
0x2c: {  	s7 =	sld [smem:$0x3FA4]  }
0x2d: {  	s3 =	simm.s32 $0x108;
	s8 =	sld [smem:$0x3FA5]  }
0x2e: {  	s3 =	simm.s32 @!p0 $0x1082;
	s9 =	sld [smem:$0x3FA6]  }
0x2f: {  	lr =	sadd.s32 s0, s3;
	s0 =	sld [smem:$0x3F9D]  }
0x30: {  	s3 =	sld [smem:$0x3FA0]  }
0x31: {  	[smem:$0x3FA9] =	sst s10  }
0x32: {  	s10 =	sld [smem:$0x3FA7];
	_ =	sdelay $0x3  }
0x33: {  	p0 =	seq.s32 s10, $0x1;
	s10 =	sld [smem:$0x3FA9];
	_ =	sdelay $0x3  }
0x34: {  	[smem:$0x3FA9] =	sst s10  }
0x35: {  	s10 =	sld [smem:$0x3FA8];
	_ =	sdelay $0x3  }
0x36: {  	p1 =	seq.s32 s10, $0x1;
	s10 =	sld [smem:$0x3FA9];
	_ =	sdelay $0x3  }
0x37: {  	[smem:$0x3FA9] =	sst s10  }
0x38: {  	s10 =	sld [smem:$0x3FAA]  }
0x39: {  	_ = 	snop;
	(pc) =	sbr.ind lr, $3  }
0x3a: {  	_ = 	snop  }
0x3b: {  	_ = 	snop  }
0x3c: {  	p2 =	seq.s32 s10, $0x1;
	s10 =	sld [smem:$0x3FA9]  }
0x3d: {  	_ =	shalt  }
0x3e: {  	_ =	shalt  }
0x3f: {  	_ =	shalt  }
0x40: {  	_ =	shalt  }
0x41: {  	_ =	shalt  }
0x42: {  	_ =	shalt  }
0x43: {  	_ =	shalt  }
0x44: {  	_ =	shalt  }
0x45: {  	_ =	shalt  }
0x46: {  	_ =	shalt  }
0x47: {  	_ =	shalt  }
0x48: {  	_ =	shalt  }
0x49: {  	_ =	shalt  }
0x4a: {  	_ =	shalt  }
0x4b: {  	_ =	shalt  }
0x4c: {  	_ =	shalt  }
0x4d: {  	_ =	shalt  }
0x4e: {  	_ =	shalt  }
0x4f: {  	_ =	shalt  }
0x50: {  	_ =	shalt  }
0x51: {  	_ =	shalt  }
0x52: {  	_ =	shalt  }
0x53: {  	_ =	shalt  }
0x54: {  	_ =	shalt  }
0x55: {  	_ =	shalt  }
0x56: {  	_ =	shalt  }
0x57: {  	_ =	shalt  }
0x58: {  	_ =	shalt  }
0x59: {  	_ =	shalt  }
0x5a: {  	_ =	shalt  }
0x5b: {  	_ =	shalt  }
0x5c: {  	_ =	shalt  }
0x5d: {  	_ =	shalt  }
0x5e: {  	_ =	shalt  }
0x5f: {  	_ =	shalt  }
0x60: {  	_ =	shalt  }
0x61: {  	_ =	shalt  }
0x62: {  	_ =	shalt  }
0x63: {  	_ =	shalt  }
0x64: {  	_ =	shalt  }
0x65: {  	_ =	shalt  }
0x66: {  	_ =	shalt  }
0x67: {  	_ =	shalt  }
0x68: {  	_ =	shalt  }
0x69: {  	_ =	shalt  }
0x6a: {  	_ =	shalt  }
0x6b: {  	_ =	shalt  }
0x6c: {  	_ =	shalt  }
0x6d: {  	_ =	shalt  }
0x6e: {  	_ =	shalt  }
0x6f: {  	_ =	shalt  }
0x70: {  	_ =	shalt  }
0x71: {  	_ =	shalt  }
0x72: {  	_ =	shalt  }
0x73: {  	_ =	shalt  }
0x74: {  	_ =	shalt  }
0x75: {  	_ =	shalt  }
0x76: {  	_ =	shalt  }
0x77: {  	_ =	shalt  }
0x78: {  	_ =	shalt  }
0x79: {  	_ =	shalt  }
0x7a: {  	_ =	shalt  }
0x7b: {  	_ =	shalt  }
0x7c: {  	_ =	shalt  }
0x7d: {  	_ =	shalt  }
0x7e: {  	_ =	shalt  }
0x7f: {  	_ =	shalt  }
0x80: {  	_ =	shalt  }
0x81: {  	_ =	shalt  }
0x82: {  	_ =	shalt  }
0x83: {  	_ =	shalt  }
0x84: {  	_ =	shalt  }
0x85: {  	_ =	shalt  }
0x86: {  	_ =	shalt  }
0x87: {  	_ =	shalt  }
.Lfunc_end0:
.L_simem_size_0:
called_computation_lowered:
.L_overlay_start_0:
0x88: {  	s2 =	sld [smem:$0x3FD9]  }
0x89: {  	s3 =	sld [smem:$0x3FFE];
	_ =	sdelay $0x1  }
0x8a: {  	s1 =	srdreg.scid  }
0x8b: {  	s0 =	sand.u32 $0x1, s1  }
0x8c: {  	s17 =	sshll.u32 s0, $0xA;
	s2 =	sadd.s32 s3, s2  }
0x8d: {  	s2 =	sadd.s32 s2, s17  }
0x8e: {  	[smem:$0x3FB5] =	sst s2  }
0x8f: {  	_ = 	snop  }
0x90: {  	s2 =	sld [smem:$0x3FD0];
	(tm) =	ssettm $0x1  }
0x91: {  	s18 =	sld [smem:$0x3FFB];
	_ =	sdelay $0x3  }
0x92: {  	_ =	strace s18  }
0x93: {  	s3 =	sld [smem:$0x3FFC];
	_ =	sdelay $0x3  }
0x94: {  	_ =	strace s3  }
0x95: {  	s3 =	sld [smem:$0x3FFD];
	_ =	sdelay $0x3  }
0x96: {  	_ =	strace s3  }
0x97: {  	_ =	strace $0x8FFFFFFF  }
0x98: {  	s19 =	sld [smem:$0x3FDB];
	_ =	sdelay $0x1  }
0x99: {  	s4 =	simm.s32 $_scs_section_size  }
0x9a: {  	s5 =	simm.s32 $_size__tile_overlayer_lowered;
	s6 =	simm.s32 $_tile_overlayer_lowered  }
0x9b: {  	s22 =	simm.s32 $0x1BFF;
	s21 =	sshll.u32 s6, $0x1;
	s3 =	sadd.s32 s4, s19  }
0x9c: {  	s7 =	simm.s32 $0x0;
	s20 =	sshll.u32 s5, $0x1;
	s5 =	sadd.s32 s21, s3  }
0x9d: {  	[timem:s7], [sflag:s22] =	dma.local [hbm:s5], s20  }
0x9e: {  	_ =	swait.ge [sflag:s22], s20  }
0x9f: {  	s4 =	ssub.s32 $0x0, s20;
	[sflag:s22] =	ssyncset.done $0x0  }
0xa0: {  	[sflag:s22] =	ssyncadd.s32 s4;
	_ =	sdelay $0x1  }
0xa1: {  	s23 =	simm.s32 $0x1B8B  }
0xa2: {  	_ =	swait.ge [sflag:s23], $0x1  }
0xa3: {  	[sflag:s23] =	ssyncset.done $0x0  }
0xa4: {  	s25 =	simm.s32 $0x1B8E;
	s24 =	sld [smem:$0x3FFE];
	[sflag:s23] =	ssyncadd.s32 $0xFFFFFFFF  }
0xa5: {  	s26 =	simm.s32 $execute0_lowered;
	[smem:$0x3FD2] =	sst s25  }
0xa6: {  	s5 =	sshll.u32 s26, $0x1;
	_ =	strace $0x80000046;
	[dreg:$0x1] =	wrdreg $0xFFFFFFFF  }
0xa7: {  	s28 =	simm.s32 $_size_execute0_lowered;
	s3 =	sadd.s32 s3, s5;
	[dreg:$0x0] =	wrdreg $0x0  }
0xa8: {  	s5 =	sshll.u32 s28, $0x1;
	[dreg:$0x2] =	wrdreg s3  }
0xa9: {  	[dreg:$0x3] =	wrdreg s5  }
0xaa: {  	[dreg:$0x4] =	wrdreg $0xC0  }
0xab: {  	_ =	task [dreg:s7], $0x5FFFF  }
0xac: {  	[dreg:$0x1] =	wrdreg $0xFFFFFFFF  }
0xad: {  	[dreg:$0x0] =	wrdreg $0x60  }
0xae: {  	[dreg:$0x2] =	wrdreg s2  }
0xaf: {  	[dreg:$0x3] =	wrdreg s24  }
0xb0: {  	[dreg:$0x4] =	wrdreg $0x9  }
0xb1: {  	_ =	task.clear_ibuf [dreg:s7], $0x5FFFF;
	_ =	strace $0x90000046  }
0xb2: {  	s29 =	simm.s32 $0x9;
	_ =	strace $0x80000048  }
0xb3: {  	_ =	swait.ge [sflag:s29], $0x1  }
0xb4: {  	[sflag:s29] =	ssyncadd.s32 $0xFFFFFFFF  }
0xb5: {  	_ =	strace $0x90000048  }
0xb6: {  	_ =	sfence  }
0xb7: {  	s30 =	sld [smem:$0x0];
	_ =	sdelay $0x2  }
0xb8: {  	s31 =	sshll.u32 s1, $0xD;
	s1 =	sshrl.u32 s1, $0x2  }
0xb9: {  	s3 =	sand.u32 $0x4000, s31;
	s1 =	sadd.s32 s1, s30  }
0xba: {  	s0 =	sor.u32 s3, s0;
	s1 =	sshll.u32 s1, $0x11  }
0xbb: {  	s0 =	sor.u32 s1, s0  }
0xbc: {  	s0 =	sadd.s32 $0x8F2B, s0  }
0xbd: {  	[sflag:s0] =	ssyncadd.remote.s32 $0x1  }
0xbe: {  	_ =	sfence.sel $0xFFFF  }
0xbf: {  	[dreg:$0x0] =	wrdreg $0xFFFFFFFF;
	(pc) =	sbr.abs _section_cstart, $3  }
0xc0: {  	[dreg:$0x1] =	wrdreg $0xFFFFFFFF  }
0xc1: {  	_ =	task.clear_ibuf [dreg:s7], $0x2FFFF;
	_ =	strace $0x9FFFFFFF  }
0xc2: {  	(tm) =	ssettm $0x7FFFFFFF  }
0xc3: {  	_ =	shalt  }
tec
execute0_lowered:
.L_overlay_start_1:
0x0: {  	(tag) =	ssettag $0x1  }
0x1: {  	s2 =	rddreg [dreg:$0x0]  }
0x2: {  	s0 =	rddreg [dreg:$0x1];
	s1 =	srdreg.scid  }
0x3: {  	s6 =	stileid.u32;
	s3 =	simm.s32 $0x0;
	s10 =	simm.s32 $0x4  }
0x4: {  	s11 =	simm.s32 $0x2780;
	s12 =	simm.s32 $0x28;
	s13 =	simm.s32 $0x4F00  }
0x5: {  	s14 =	simm.s32 $0xB300;
	s21 =	simm.s32 $0x12B00;
	s22 =	simm.s32 $0x18F00  }
0x6: {  	s23 =	simm.s32 $0x13F00;
	s24 =	simm.s32 $0x1A300;
	s25 =	simm.s32 $0x15300  }
0x7: {  	s26 =	simm.s32 $0x1B700;
	s28 =	simm.s32 $0x16700;
	[smem:$0x7FF] =	sst s3  }
0x8: {  	s29 =	simm.s32 $0x1CB00;
	_ =	strace $0x80000047;
	[dreg:$0x3] =	wrdreg s21  }
0x9: {  	s30 =	simm.s32 $0x10300;
	s31 =	simm.s32 $0x1;
	[dreg:$0x4] =	wrdreg s22  }
0xa: {  	s15 =	simm.s32 $0x2;
	s16 =	simm.s32 $0x3;
	[dreg:$0x5] =	wrdreg s23  }
0xb: {  	s1 =	sand.u32 $0x1, s1;
	s4 =	sshll.u32 s6, $0x1;
	[dreg:$0x6] =	wrdreg s24  }
0xc: {  	s6 =	smul.u32 $0x4E200, s6;
	s4 =	sor.u32 s1, s4;
	[dreg:$0x7] =	wrdreg s25  }
0xd: {  	s17 =	simm.s32 $0x0;
	[dreg:$0x8] =	wrdreg s26;
	s5 =	smul.u32 $0x2710, s4  }
0xe: {  	s7 =	ssub.s32 $0x2, s1;
	s1 =	smul.u32 $0x27100, s1;
	[dreg:$0x9] =	wrdreg s28  }
0xf: {  	[dreg:$0xa] =	wrdreg s29;
	s8 =	sshrl.u32 s7, $0x1;
	s5 =	sshrl.u32 s5, $0x3  }
0x10: {  	s4 =	sadd.s32 $0x17200, s0;
	s7 =	ssub.s32 s7, s8;
	s9 =	sadd.s32 s5, s0  }
0x11: {  	s7 =	smax.u32 s7, $0x1;
	s0 =	sadd.s32 s6, s0;
	s5 =	sadd.s32 $0xD400, s9  }
0x12: {  	s6 =	sadd.s32 $0x3600, s9;
	s0 =	sadd.s32 s1, s0;
	s1 =	simm.s32 $0x17B00  }
0x13: {  	s8 =	sadd.s32 $0x3E400, s0;
	s9 =	sadd.s32 $0x520400, s0;
	s0 =	simm.s32 $0x11700  }
.LBB2_1:
0x14: {  	[tilespmem:s3], [sflag:$0x4] =	stream.linear.gather [hbm4b:s5+s3], $0x2710, $0x38;
	[tilespmem:$0x1DF00] =	vst v63  }
0x15: {  	_ =	swait.ge [sflag:s10], $0x2710  }
0x16: {  	[sflag:s10] =	ssyncset.done $0x0  }
0x17: {  	[sflag:s10] =	ssyncadd.s32 $0xFFFFD8F0  }
0x18: {  	[tilespmem:s11], [sflag:$0x4] =	stream.linear.gather [hbm4b:s6+s3], $0x2710, $0x38;
	[tilespmem:$0x1DF00] =	vst v63  }
0x19: {  	_ =	swait.ge [sflag:s10], $0x2710  }
0x1a: {  	[sflag:s10] =	ssyncset.done $0x0  }
0x1b: {  	[sflag:s10] =	ssyncadd.s32 $0xFFFFD8F0  }
0x1c: {  	[tilespmem:s13], [sflag:$0x1] =	stream.indirect.gather [hbm4b:s2+s12], $0x80, s3, s12, $0xb8;
	[tilespmem:$0x1DF00] =	vst v63  }
0x1d: {  	_ = 	snop  }
0x1e: {  	[tilespmem:s14], [sflag:$0x1] =	stream.indirect.gather [hbm4b:s4+s12], $0x80, s11, s12, $0xb8;
	[tilespmem:$0x1DF00] =	vst v63  }
0x1f: {  	s18 =	simm.s32 $0x6300  }
0x20: {  	[tilespmem:s18], [sflag:$0x1] =	stream.indirect.gather [hbm4b:s2+s12], $0x80, s12, s12, $0xb8;
	[tilespmem:$0x1DF00] =	vst v63  }
0x21: {  	s26 =	simm.s32 $0x27A8;
	s19 =	simm.s32 $0xC700  }
0x22: {  	[tilespmem:s19], [sflag:$0x1] =	stream.indirect.gather [hbm4b:s4+s12], $0x80, s26, s12, $0xb8;
	[tilespmem:$0x1DF00] =	vst v63  }
0x23: {  	s28 =	simm.s32 $0x50;
	s29 =	simm.s32 $0x7700  }
0x24: {  	[tilespmem:s29], [sflag:$0x1] =	stream.indirect.gather [hbm4b:s2+s12], $0x80, s28, s12, $0xb8;
	[tilespmem:$0x1DF00] =	vst v63  }
0x25: {  	s20 =	simm.s32 $0x27D0;
	s21 =	simm.s32 $0xDB00  }
0x26: {  	[tilespmem:s21], [sflag:$0x1] =	stream.indirect.gather [hbm4b:s4+s12], $0x80, s20, s12, $0xb8;
	[tilespmem:$0x1DF00] =	vst v63  }
0x27: {  	s22 =	simm.s32 $0x78;
	s23 =	simm.s32 $0x8B00  }
0x28: {  	[tilespmem:s23], [sflag:$0x1] =	stream.indirect.gather [hbm4b:s2+s12], $0x80, s22, s12, $0xb8;
	[tilespmem:$0x1DF00] =	vst v63  }
0x29: {  	s24 =	simm.s32 $0x27F8;
	s25 =	simm.s32 $0xEF00  }
0x2a: {  	[tilespmem:s25], [sflag:$0x1] =	stream.indirect.gather [hbm4b:s4+s12], $0x80, s24, s12, $0xb8;
	[tilespmem:$0x1DF00] =	vst v63  }
0x2b: {  	s26 =	simm.s32 $0xA0;
	s28 =	simm.s32 $0x9F00  }
0x2c: {  	[tilespmem:s28], [sflag:$0x1] =	stream.indirect.gather [hbm4b:s2+s12], $0x80, s26, s12, $0xb8;
	[tilespmem:$0x1DF00] =	vst v63  }
0x2d: {  	s29 =	simm.s32 $0x2820  }
0x2e: {  	[tilespmem:s30], [sflag:$0x1] =	stream.indirect.gather [hbm4b:s4+s12], $0x80, s29, s12, $0xb8;
	[tilespmem:$0x1DF00] =	vst v63  }
0x2f: {  	_ =	swait.ge [sflag:s31], $0x1400  }
0x30: {  	[sflag:s31] =	ssyncset.done $0x0  }
0x31: {  	[sflag:s31] =	ssyncadd.s32 $0xFFFFEC00  }
0x32: {  	_ =	swait.ge [sflag:s31], $0x1400  }
0x33: {  	[sflag:s31] =	ssyncset.done $0x0  }
0x34: {  	[sflag:s31] =	ssyncadd.s32 $0xFFFFEC00  }
0x35: {  	_ =	swait.ge [sflag:s31], $0x1400  }
0x36: {  	[sflag:s31] =	ssyncset.done $0x0  }
0x37: {  	[sflag:s31] =	ssyncadd.s32 $0xFFFFEC00  }
0x38: {  	_ =	swait.ge [sflag:s31], $0x1400  }
0x39: {  	[sflag:s31] =	ssyncset.done $0x0  }
0x3a: {  	[sflag:s31] =	ssyncadd.s32 $0xFFFFEC00  }
0x3b: {  	_ =	swait.ge [sflag:s31], $0x1400  }
0x3c: {  	[sflag:s31] =	ssyncset.done $0x0  }
0x3d: {  	[sflag:s31] =	ssyncadd.s32 $0xFFFFEC00  }
0x3e: {  	_ =	swait.ge [sflag:s31], $0x1400  }
0x3f: {  	[sflag:s31] =	ssyncset.done $0x0  }
0x40: {  	[sflag:s31] =	ssyncadd.s32 $0xFFFFEC00  }
0x41: {  	_ =	swait.ge [sflag:s31], $0x1400  }
0x42: {  	[sflag:s31] =	ssyncset.done $0x0  }
0x43: {  	[sflag:s31] =	ssyncadd.s32 $0xFFFFEC00  }
0x44: {  	_ =	swait.ge [sflag:s31], $0x1400  }
0x45: {  	[sflag:s31] =	ssyncset.done $0x0  }
0x46: {  	[sflag:s31] =	ssyncadd.s32 $0xFFFFEC00  }
0x47: {  	_ =	swait.ge [sflag:s31], $0x1400  }
0x48: {  	[sflag:s31] =	ssyncset.done $0x0  }
0x49: {  	[sflag:s31] =	ssyncadd.s32 $0xFFFFEC00  }
0x4a: {  	_ =	swait.ge [sflag:s31], $0x1400  }
0x4b: {  	p0 =	por $0x1, $0x1;
	[sflag:s31] =	ssyncset.done $0x0  }
0x4c: {  	s18 =	simm.s32 @!p0 $0x3;
	[sflag:s31] =	ssyncadd.s32 $0xFFFFEC00  }
0x4d: {  	_ =	swait.ge @!p0 [sflag:s18], $0x6400  }
0x4e: {  	[sflag:s18] =	ssyncset.done @!p0 $0x0  }
0x4f: {  	[sflag:s18] =	ssyncadd.s32 @!p0 $0xFFFF9C00  }
0x50: {  	_ =	swait.ge @!p0 [sflag:s18], $0x6400  }
0x51: {  	[sflag:s18] =	ssyncset.done @!p0 $0x0  }
0x52: {  	s19 =	simm.s32 $0xC8;
	[sflag:s18] =	ssyncadd.s32 @!p0 $0xFFFF9C00  }
0x53: {  	[tilespmem:s0], [sflag:$0x1] =	stream.indirect.gather [hbm4b:s2+s12], $0x80, s19, s12, $0xb8;
	[tilespmem:$0x1DF00] =	vst v63  }
0x54: {  	s20 =	simm.s32 $0x2848  }
0x55: {  	[tilespmem:s1], [sflag:$0x1] =	stream.indirect.gather [hbm4b:s4+s12], $0x80, s20, s12, $0xb8;
	[tilespmem:$0x1DF00] =	vst v63  }
0x56: {  	s22 =	simm.s32 $0xF0;
	s21 =	rddreg [dreg:$0x3]  }
0x57: {  	[tilespmem:s21], [sflag:$0x1] =	stream.indirect.gather [hbm4b:s2+s12], $0x80, s22, s12, $0xb8;
	[tilespmem:$0x1DF00] =	vst v63  }
0x58: {  	s23 =	simm.s32 $0x2870;
	s20 =	rddreg [dreg:$0x4]  }
0x59: {  	[tilespmem:s20], [sflag:$0x1] =	stream.indirect.gather [hbm4b:s4+s12], $0x80, s23, s12, $0xb8;
	[tilespmem:$0x1DF00] =	vst v63  }
0x5a: {  	s25 =	simm.s32 $0x118;
	s24 =	rddreg [dreg:$0x5]  }
0x5b: {  	[tilespmem:s24], [sflag:$0x1] =	stream.indirect.gather [hbm4b:s2+s12], $0x80, s25, s12, $0xb8;
	[tilespmem:$0x1DF00] =	vst v63  }
0x5c: {  	s28 =	simm.s32 $0x2898;
	s26 =	rddreg [dreg:$0x6]  }
0x5d: {  	[tilespmem:s26], [sflag:$0x1] =	stream.indirect.gather [hbm4b:s4+s12], $0x80, s28, s12, $0xb8;
	[tilespmem:$0x1DF00] =	vst v63  }
0x5e: {  	s29 =	rddreg [dreg:$0x7];
	s21 =	simm.s32 $0x140  }
0x5f: {  	[tilespmem:s29], [sflag:$0x1] =	stream.indirect.gather [hbm4b:s2+s12], $0x80, s21, s12, $0xb8;
	[tilespmem:$0x1DF00] =	vst v63  }
0x60: {  	s22 =	rddreg [dreg:$0x8];
	s23 =	simm.s32 $0x28C0  }
0x61: {  	[tilespmem:s22], [sflag:$0x1] =	stream.indirect.gather [hbm4b:s4+s12], $0x80, s23, s12, $0xb8;
	[tilespmem:$0x1DF00] =	vst v63  }
0x62: {  	s24 =	rddreg [dreg:$0x9];
	s25 =	simm.s32 $0x168  }
0x63: {  	[tilespmem:s24], [sflag:$0x1] =	stream.indirect.gather [hbm4b:s2+s12], $0x80, s25, s12, $0xb8;
	[tilespmem:$0x1DF00] =	vst v63  }
0x64: {  	s26 =	rddreg [dreg:$0xa];
	s28 =	simm.s32 $0x28E8  }
0x65: {  	[tilespmem:s26], [sflag:$0x1] =	stream.indirect.gather [hbm4b:s4+s12], $0x80, s28, s12, $0xb8;
	[tilespmem:$0x1DF00] =	vst v63  }
0x66: {  	_ = 	snop  }
0x67: {  	[hbm4b:s8+s3] =	stream.linear.scatter [tilespmem:s13], [sflag:$0x2], $0x6400, $0x38;
	[tilespmem:$0x1DF00] =	vst v63  }
0x68: {  	_ = 	snop  }
0x69: {  	[hbm4b:s9+s3] =	stream.linear.scatter [tilespmem:s14], [sflag:$0x2], $0x6400, $0x38;
	[tilespmem:$0x1DF00] =	vst v63  }
0x6a: {  	_ =	swait.ge [sflag:s31], $0x1400  }
0x6b: {  	[sflag:s31] =	ssyncset.done $0x0  }
0x6c: {  	[sflag:s31] =	ssyncadd.s32 $0xFFFFEC00  }
0x6d: {  	_ =	swait.ge [sflag:s31], $0x1400  }
0x6e: {  	[sflag:s31] =	ssyncset.done $0x0  }
0x6f: {  	[sflag:s31] =	ssyncadd.s32 $0xFFFFEC00  }
0x70: {  	_ =	swait.ge [sflag:s31], $0x1400  }
0x71: {  	[sflag:s31] =	ssyncset.done $0x0  }
0x72: {  	[sflag:s31] =	ssyncadd.s32 $0xFFFFEC00  }
0x73: {  	_ =	swait.ge [sflag:s31], $0x1400  }
0x74: {  	[sflag:s31] =	ssyncset.done $0x0  }
0x75: {  	[sflag:s31] =	ssyncadd.s32 $0xFFFFEC00  }
0x76: {  	_ =	swait.ge [sflag:s31], $0x1400  }
0x77: {  	[sflag:s31] =	ssyncset.done $0x0  }
0x78: {  	[sflag:s31] =	ssyncadd.s32 $0xFFFFEC00  }
0x79: {  	_ =	swait.ge [sflag:s31], $0x1400  }
0x7a: {  	[sflag:s31] =	ssyncset.done $0x0  }
0x7b: {  	[sflag:s31] =	ssyncadd.s32 $0xFFFFEC00  }
0x7c: {  	_ =	swait.ge [sflag:s31], $0x1400  }
0x7d: {  	[sflag:s31] =	ssyncset.done $0x0  }
0x7e: {  	[sflag:s31] =	ssyncadd.s32 $0xFFFFEC00  }
0x7f: {  	_ =	swait.ge [sflag:s31], $0x1400  }
0x80: {  	[sflag:s31] =	ssyncset.done $0x0  }
0x81: {  	[sflag:s31] =	ssyncadd.s32 $0xFFFFEC00  }
0x82: {  	_ =	swait.ge [sflag:s31], $0x1400  }
0x83: {  	[sflag:s31] =	ssyncset.done $0x0  }
0x84: {  	[sflag:s31] =	ssyncadd.s32 $0xFFFFEC00  }
0x85: {  	_ =	swait.ge [sflag:s31], $0x1400  }
0x86: {  	[sflag:s31] =	ssyncset.done $0x0  }
0x87: {  	[sflag:s31] =	ssyncadd.s32 $0xFFFFEC00  }
0x88: {  	_ =	swait.ge [sflag:s15], $0x6400  }
0x89: {  	[sflag:s15] =	ssyncset.done $0x0  }
0x8a: {  	[sflag:s15] =	ssyncadd.s32 $0xFFFF9C00  }
0x8b: {  	p0 =	por $0x0, $0x0;
	_ =	swait.ge [sflag:s15], $0x6400  }
0x8c: {  	s18 =	simm.s32 @!p0 $0x4F00;
	[sflag:s15] =	ssyncset.done $0x0  }
0x8d: {  	s19 =	simm.s32 @!p0 $0x190;
	s20 =	simm.s32 @!p0 $0x28;
	[sflag:s15] =	ssyncadd.s32 $0xFFFF9C00  }
0x8e: {  	[tilespmem:s18], [sflag:$0x1] =	stream.indirect.gather @!p0 [hbm4b:s2+s20], $0x80, s19, s20, $0xb8;
	[tilespmem:$0x1DF00] =	vst v63  }
0x8f: {  	s18 =	simm.s32 @!p0 $0x2910;
	s19 =	simm.s32 @!p0 $0xB300  }
0x90: {  	[tilespmem:s19], [sflag:$0x1] =	stream.indirect.gather @!p0 [hbm4b:s4+s20], $0x80, s18, s20, $0xb8;
	[tilespmem:$0x1DF00] =	vst v63  }
0x91: {  	s18 =	simm.s32 @!p0 $0x1B8;
	s19 =	simm.s32 @!p0 $0x6300  }
0x92: {  	[tilespmem:s19], [sflag:$0x1] =	stream.indirect.gather @!p0 [hbm4b:s2+s20], $0x80, s18, s20, $0xb8;
	[tilespmem:$0x1DF00] =	vst v63  }
0x93: {  	s18 =	simm.s32 @!p0 $0x2938;
	s19 =	simm.s32 @!p0 $0xC700  }
0x94: {  	[tilespmem:s19], [sflag:$0x1] =	stream.indirect.gather @!p0 [hbm4b:s4+s20], $0x80, s18, s20, $0xb8;
	[tilespmem:$0x1DF00] =	vst v63  }
0x95: {  	s18 =	simm.s32 @!p0 $0x1E0;
	s19 =	simm.s32 @!p0 $0x7700  }
0x96: {  	[tilespmem:s19], [sflag:$0x1] =	stream.indirect.gather @!p0 [hbm4b:s2+s20], $0x80, s18, s20, $0xb8;
	[tilespmem:$0x1DF00] =	vst v63  }
0x97: {  	s18 =	simm.s32 @!p0 $0x2960;
	s19 =	simm.s32 @!p0 $0xDB00  }
0x98: {  	[tilespmem:s19], [sflag:$0x1] =	stream.indirect.gather @!p0 [hbm4b:s4+s20], $0x80, s18, s20, $0xb8;
	[tilespmem:$0x1DF00] =	vst v63  }
0x99: {  	s18 =	simm.s32 @!p0 $0x208;
	s19 =	simm.s32 @!p0 $0x8B00  }
0x9a: {  	[tilespmem:s19], [sflag:$0x1] =	stream.indirect.gather @!p0 [hbm4b:s2+s20], $0x80, s18, s20, $0xb8;
	[tilespmem:$0x1DF00] =	vst v63  }
0x9b: {  	s18 =	simm.s32 @!p0 $0x2988;
	s19 =	simm.s32 @!p0 $0xEF00  }
0x9c: {  	[tilespmem:s19], [sflag:$0x1] =	stream.indirect.gather @!p0 [hbm4b:s4+s20], $0x80, s18, s20, $0xb8;
	[tilespmem:$0x1DF00] =	vst v63  }
0x9d: {  	s29 =	sadd.s32 $0xC80, s8;
	s18 =	simm.s32 @!p0 $0x230;
	s19 =	simm.s32 @!p0 $0x9F00  }
0x9e: {  	[tilespmem:s19], [sflag:$0x1] =	stream.indirect.gather @!p0 [hbm4b:s2+s20], $0x80, s18, s20, $0xb8;
	[tilespmem:$0x1DF00] =	vst v63  }
0x9f: {  	s21 =	sadd.s32 $0xC80, s9;
	s18 =	simm.s32 @!p0 $0x29B0;
	s19 =	simm.s32 @!p0 $0x10300  }
0xa0: {  	[tilespmem:s19], [sflag:$0x1] =	stream.indirect.gather @!p0 [hbm4b:s4+s20], $0x80, s18, s20, $0xb8;
	[tilespmem:$0x1DF00] =	vst v63  }
0xa1: {  	s18 =	simm.s32 $0x640;
	s19 =	sadd.s32 $0x1900, s8;
	s20 =	sadd.s32 $0x1900, s9  }
0xa2: {  	[hbm4b:s29+s3] =	stream.linear.scatter [tilespmem:s0], [sflag:$0x3], $0x6400, $0x38;
	[tilespmem:$0x1DF00] =	vst v63  }
.LBB2_2:
0xa3: {  	[hbm4b:s21+s3] =	stream.linear.scatter [tilespmem:s1], [sflag:$0x3], $0x6400, $0x38;
	[tilespmem:$0x1DF00] =	vst v63  }
0xa4: {  	_ =	swait.ge [sflag:s31], $0x1400  }
0xa5: {  	[sflag:s31] =	ssyncset.done $0x0  }
0xa6: {  	[sflag:s31] =	ssyncadd.s32 $0xFFFFEC00  }
0xa7: {  	_ =	swait.ge [sflag:s31], $0x1400  }
0xa8: {  	[sflag:s31] =	ssyncset.done $0x0  }
0xa9: {  	[sflag:s31] =	ssyncadd.s32 $0xFFFFEC00  }
0xaa: {  	_ =	swait.ge [sflag:s31], $0x1400  }
0xab: {  	[sflag:s31] =	ssyncset.done $0x0  }
0xac: {  	[sflag:s31] =	ssyncadd.s32 $0xFFFFEC00  }
0xad: {  	_ =	swait.ge [sflag:s31], $0x1400  }
0xae: {  	[sflag:s31] =	ssyncset.done $0x0  }
0xaf: {  	[sflag:s31] =	ssyncadd.s32 $0xFFFFEC00  }
0xb0: {  	_ =	swait.ge [sflag:s31], $0x1400  }
0xb1: {  	[sflag:s31] =	ssyncset.done $0x0  }
0xb2: {  	[sflag:s31] =	ssyncadd.s32 $0xFFFFEC00  }
0xb3: {  	_ =	swait.ge [sflag:s31], $0x1400  }
0xb4: {  	[sflag:s31] =	ssyncset.done $0x0  }
0xb5: {  	[sflag:s31] =	ssyncadd.s32 $0xFFFFEC00  }
0xb6: {  	_ =	swait.ge [sflag:s31], $0x1400  }
0xb7: {  	[sflag:s31] =	ssyncset.done $0x0  }
0xb8: {  	[sflag:s31] =	ssyncadd.s32 $0xFFFFEC00  }
0xb9: {  	_ =	swait.ge [sflag:s31], $0x1400  }
0xba: {  	[sflag:s31] =	ssyncset.done $0x0  }
0xbb: {  	[sflag:s31] =	ssyncadd.s32 $0xFFFFEC00  }
0xbc: {  	_ =	swait.ge [sflag:s31], $0x1400  }
0xbd: {  	[sflag:s31] =	ssyncset.done $0x0  }
0xbe: {  	[sflag:s31] =	ssyncadd.s32 $0xFFFFEC00  }
0xbf: {  	s21 =	smov.u32 s18;
	_ =	swait.ge [sflag:s31], $0x1400  }
0xc0: {  	p1 =	seq.s32 s21, $0x0;
	[sflag:s31] =	ssyncset.done $0x0  }
0xc1: {  	s22 =	simm.s32 @!p1 $0x3;
	[sflag:s31] =	ssyncadd.s32 $0xFFFFEC00  }
0xc2: {  	_ =	swait.ge @!p1 [sflag:s22], $0x6400  }
0xc3: {  	[sflag:s22] =	ssyncset.done @!p1 $0x0  }
0xc4: {  	[sflag:s22] =	ssyncadd.s32 @!p1 $0xFFFF9C00  }
0xc5: {  	_ =	swait.ge @!p1 [sflag:s22], $0x6400  }
0xc6: {  	s23 =	sshra.s32 s21, $0x2;
	[sflag:s22] =	ssyncset.done @!p1 $0x0  }
0xc7: {  	s24 =	sadd.s32 $0xC8, s23;
	[sflag:s22] =	ssyncadd.s32 @!p1 $0xFFFF9C00  }
0xc8: {  	[tilespmem:s0], [sflag:$0x1] =	stream.indirect.gather [hbm4b:s2+s12], $0x80, s24, s12, $0xb8;
	[tilespmem:$0x1DF00] =	vst v63  }
0xc9: {  	s25 =	sadd.s32 $0x2848, s23  }
0xca: {  	[tilespmem:s1], [sflag:$0x1] =	stream.indirect.gather [hbm4b:s4+s12], $0x80, s25, s12, $0xb8;
	[tilespmem:$0x1DF00] =	vst v63  }
0xcb: {  	s26 =	sadd.s32 $0xF0, s23;
	s24 =	rddreg [dreg:$0x3]  }
0xcc: {  	[tilespmem:s24], [sflag:$0x1] =	stream.indirect.gather [hbm4b:s2+s12], $0x80, s26, s12, $0xb8;
	[tilespmem:$0x1DF00] =	vst v63  }
0xcd: {  	s28 =	sadd.s32 $0x2870, s23;
	s25 =	rddreg [dreg:$0x4]  }
0xce: {  	[tilespmem:s25], [sflag:$0x1] =	stream.indirect.gather [hbm4b:s4+s12], $0x80, s28, s12, $0xb8;
	[tilespmem:$0x1DF00] =	vst v63  }
0xcf: {  	s29 =	rddreg [dreg:$0x5];
	s25 =	sadd.s32 $0x118, s23  }
0xd0: {  	[tilespmem:s29], [sflag:$0x1] =	stream.indirect.gather [hbm4b:s2+s12], $0x80, s25, s12, $0xb8;
	[tilespmem:$0x1DF00] =	vst v63  }
0xd1: {  	s26 =	rddreg [dreg:$0x6];
	s28 =	sadd.s32 $0x2898, s23  }
0xd2: {  	[tilespmem:s26], [sflag:$0x1] =	stream.indirect.gather [hbm4b:s4+s12], $0x80, s28, s12, $0xb8;
	[tilespmem:$0x1DF00] =	vst v63  }
0xd3: {  	s29 =	rddreg [dreg:$0x7];
	s25 =	sadd.s32 $0x140, s23  }
0xd4: {  	[tilespmem:s29], [sflag:$0x1] =	stream.indirect.gather [hbm4b:s2+s12], $0x80, s25, s12, $0xb8;
	[tilespmem:$0x1DF00] =	vst v63  }
0xd5: {  	s26 =	rddreg [dreg:$0x8];
	s28 =	sadd.s32 $0x28C0, s23  }
0xd6: {  	[tilespmem:s26], [sflag:$0x1] =	stream.indirect.gather [hbm4b:s4+s12], $0x80, s28, s12, $0xb8;
	[tilespmem:$0x1DF00] =	vst v63  }
0xd7: {  	s29 =	rddreg [dreg:$0x9];
	s25 =	sadd.s32 $0x168, s23  }
0xd8: {  	[tilespmem:s29], [sflag:$0x1] =	stream.indirect.gather [hbm4b:s2+s12], $0x80, s25, s12, $0xb8;
	[tilespmem:$0x1DF00] =	vst v63  }
0xd9: {  	s26 =	rddreg [dreg:$0xa];
	s28 =	sadd.s32 $0x28E8, s23  }
0xda: {  	[tilespmem:s26], [sflag:$0x1] =	stream.indirect.gather [hbm4b:s4+s12], $0x80, s28, s12, $0xb8;
	[tilespmem:$0x1DF00] =	vst v63  }
0xdb: {  	_ = 	snop  }
0xdc: {  	[hbm4b:s19+s3] =	stream.linear.scatter [tilespmem:s13], [sflag:$0x2], $0x6400, $0x38;
	[tilespmem:$0x1DF00] =	vst v63  }
0xdd: {  	_ = 	snop  }
0xde: {  	[hbm4b:s20+s3] =	stream.linear.scatter [tilespmem:s14], [sflag:$0x2], $0x6400, $0x38;
	[tilespmem:$0x1DF00] =	vst v63  }
0xdf: {  	_ =	swait.ge [sflag:s31], $0x1400  }
0xe0: {  	[sflag:s31] =	ssyncset.done $0x0  }
0xe1: {  	[sflag:s31] =	ssyncadd.s32 $0xFFFFEC00  }
0xe2: {  	_ =	swait.ge [sflag:s31], $0x1400  }
0xe3: {  	[sflag:s31] =	ssyncset.done $0x0  }
0xe4: {  	[sflag:s31] =	ssyncadd.s32 $0xFFFFEC00  }
0xe5: {  	_ =	swait.ge [sflag:s31], $0x1400  }
0xe6: {  	[sflag:s31] =	ssyncset.done $0x0  }
0xe7: {  	[sflag:s31] =	ssyncadd.s32 $0xFFFFEC00  }
0xe8: {  	_ =	swait.ge [sflag:s31], $0x1400  }
0xe9: {  	[sflag:s31] =	ssyncset.done $0x0  }
0xea: {  	[sflag:s31] =	ssyncadd.s32 $0xFFFFEC00  }
0xeb: {  	_ =	swait.ge [sflag:s31], $0x1400  }
0xec: {  	[sflag:s31] =	ssyncset.done $0x0  }
0xed: {  	[sflag:s31] =	ssyncadd.s32 $0xFFFFEC00  }
0xee: {  	_ =	swait.ge [sflag:s31], $0x1400  }
0xef: {  	[sflag:s31] =	ssyncset.done $0x0  }
0xf0: {  	[sflag:s31] =	ssyncadd.s32 $0xFFFFEC00  }
0xf1: {  	_ =	swait.ge [sflag:s31], $0x1400  }
0xf2: {  	[sflag:s31] =	ssyncset.done $0x0  }
0xf3: {  	[sflag:s31] =	ssyncadd.s32 $0xFFFFEC00  }
0xf4: {  	_ =	swait.ge [sflag:s31], $0x1400  }
0xf5: {  	[sflag:s31] =	ssyncset.done $0x0  }
0xf6: {  	[sflag:s31] =	ssyncadd.s32 $0xFFFFEC00  }
0xf7: {  	_ =	swait.ge [sflag:s31], $0x1400  }
0xf8: {  	[sflag:s31] =	ssyncset.done $0x0  }
0xf9: {  	[sflag:s31] =	ssyncadd.s32 $0xFFFFEC00  }
0xfa: {  	_ =	swait.ge [sflag:s31], $0x1400  }
0xfb: {  	[sflag:s31] =	ssyncset.done $0x0  }
0xfc: {  	[sflag:s31] =	ssyncadd.s32 $0xFFFFEC00  }
0xfd: {  	_ =	swait.ge [sflag:s15], $0x6400  }
0xfe: {  	[sflag:s15] =	ssyncset.done $0x0  }
0xff: {  	[sflag:s15] =	ssyncadd.s32 $0xFFFF9C00  }
0x100: {  	p1 =	seq.s32 s21, $0x9600;
	_ =	swait.ge [sflag:s15], $0x6400  }
0x101: {  	s21 =	sshra.s32 @!p1 s21, $0x2;
	s22 =	simm.s32 @!p1 $0x4F00;
	[sflag:s15] =	ssyncset.done $0x0  }
0x102: {  	s24 =	simm.s32 @!p1 $0x28;
	s23 =	sadd.s32 @!p1 $0x190, s21;
	[sflag:s15] =	ssyncadd.s32 $0xFFFF9C00  }
0x103: {  	[tilespmem:s22], [sflag:$0x1] =	stream.indirect.gather @!p1 [hbm4b:s2+s24], $0x80, s23, s24, $0xb8;
	[tilespmem:$0x1DF00] =	vst v63  }
0x104: {  	s22 =	sadd.s32 @!p1 $0x2910, s21;
	s23 =	simm.s32 @!p1 $0xB300  }
0x105: {  	[tilespmem:s23], [sflag:$0x1] =	stream.indirect.gather @!p1 [hbm4b:s4+s24], $0x80, s22, s24, $0xb8;
	[tilespmem:$0x1DF00] =	vst v63  }
0x106: {  	s25 =	sadd.s32 @!p1 $0x1B8, s21;
	s22 =	simm.s32 @!p1 $0x6300  }
0x107: {  	[tilespmem:s22], [sflag:$0x1] =	stream.indirect.gather @!p1 [hbm4b:s2+s24], $0x80, s25, s24, $0xb8;
	[tilespmem:$0x1DF00] =	vst v63  }
0x108: {  	s23 =	sadd.s32 @!p1 $0x2938, s21;
	s22 =	simm.s32 @!p1 $0xC700  }
0x109: {  	[tilespmem:s22], [sflag:$0x1] =	stream.indirect.gather @!p1 [hbm4b:s4+s24], $0x80, s23, s24, $0xb8;
	[tilespmem:$0x1DF00] =	vst v63  }
0x10a: {  	s26 =	sadd.s32 @!p1 $0x1E0, s21;
	s22 =	simm.s32 @!p1 $0x7700  }
0x10b: {  	[tilespmem:s22], [sflag:$0x1] =	stream.indirect.gather @!p1 [hbm4b:s2+s24], $0x80, s26, s24, $0xb8;
	[tilespmem:$0x1DF00] =	vst v63  }
0x10c: {  	s25 =	sadd.s32 @!p1 $0x2960, s21;
	s22 =	simm.s32 @!p1 $0xDB00  }
0x10d: {  	[tilespmem:s22], [sflag:$0x1] =	stream.indirect.gather @!p1 [hbm4b:s4+s24], $0x80, s25, s24, $0xb8;
	[tilespmem:$0x1DF00] =	vst v63  }
0x10e: {  	s28 =	sadd.s32 @!p1 $0x208, s21;
	s22 =	simm.s32 @!p1 $0x8B00  }
0x10f: {  	[tilespmem:s22], [sflag:$0x1] =	stream.indirect.gather @!p1 [hbm4b:s2+s24], $0x80, s28, s24, $0xb8;
	[tilespmem:$0x1DF00] =	vst v63  }
0x110: {  	s18 =	sadd.s32 $0x640, s18;
	s23 =	sadd.s32 @!p1 $0x2988, s21;
	s22 =	simm.s32 @!p1 $0xEF00  }
0x111: {  	[tilespmem:s22], [sflag:$0x1] =	stream.indirect.gather @!p1 [hbm4b:s4+s24], $0x80, s23, s24, $0xb8;
	[tilespmem:$0x1DF00] =	vst v63  }
0x112: {  	p0 =	sne.s32 s18, $0x9C40;
	s29 =	sadd.s32 @!p1 $0x230, s21;
	s22 =	simm.s32 @!p1 $0x9F00  }
0x113: {  	[tilespmem:s22], [sflag:$0x1] =	stream.indirect.gather @!p1 [hbm4b:s2+s24], $0x80, s29, s24, $0xb8;
	[tilespmem:$0x1DF00] =	vst v63  }
.Ltmp0:
0x114: {  	_ = 	snop;
	(pc) =	sbr.rel @p0 .LBB2_2-.Ltmp0, $4  }
0x115: {  	s21 =	sadd.s32 @!p1 $0x29B0, s21;
	s22 =	simm.s32 @!p1 $0x10300;
	s29 =	sadd.s32 $0xC80, s19  }
0x116: {  	[tilespmem:s22], [sflag:$0x1] =	stream.indirect.gather @!p1 [hbm4b:s4+s24], $0x80, s21, s24, $0xb8;
	[tilespmem:$0x1DF00] =	vst v63  }
0x117: {  	s19 =	sadd.s32 $0x1900, s19;
	s21 =	sadd.s32 $0xC80, s20;
	s20 =	sadd.s32 $0x1900, s20  }
0x118: {  	[hbm4b:s29+s3] =	stream.linear.scatter [tilespmem:s0], [sflag:$0x3], $0x6400, $0x38;
	[tilespmem:$0x1DF00] =	vst v63  }
0x119: {  	[hbm4b:s21+s3] =	stream.linear.scatter [tilespmem:s1], [sflag:$0x3], $0x6400, $0x38;
	[tilespmem:$0x1DF00] =	vst v63  }
0x11a: {  	s17 =	sadd.s32 $0x1, s17  }
0x11b: {  	_ =	swait.ge [sflag:s16], $0x6400;
	p0 =	sne.s32 s17, s7  }
.Ltmp1:
0x11c: {  	[sflag:s16] =	ssyncset.done $0x0;
	(pc) =	sbr.rel @p0 .LBB2_1-.Ltmp1, $4  }
0x11d: {  	[sflag:s16] =	ssyncadd.s32 $0xFFFF9C00  }
0x11e: {  	_ =	swait.ge [sflag:s16], $0x6400  }
0x11f: {  	[sflag:s16] =	ssyncset.done $0x0  }
0x120: {  	[sflag:s16] =	ssyncadd.s32 $0xFFFF9C00  }
0x121: {  	_ =	sfence.sel $0x180000  }
0x122: {  	[bflag:$0x0] =	sbarrier.arrive $0xFFFF  }
0x123: {  	_ =	strace $0x90000047  }
0x124: {  	s0 =	stileid.u32;
	[bflag:$0x2] =	sbarrier.arrive $0xFFFF  }
0x125: {  	p0 =	sne.s32 s0, $0x0;
	s0 =	rddreg [dreg:$0x2]  }
0x126: {  	s0 =	sadd.s32 @!p0 $0x100000, s0  }
0x127: {  	[sflag:s0] =	ssyncadd.tile.s32 @!p0 $0x1;
	_ =	shalt  }
.Lfunc_end2:
_tile_overlayer_lowered:
.L_overlay_start_2:
0x128: {  	(tag) =	ssettag $0x2  }
0x129: {  	s0 =	rddreg [dreg:$0x0];
	s2 =	stileid.u32  }
0x12a: {  	s1 =	rddreg [dreg:$0x1];
	p0 =	sne.s32 s2, $0x0  }
0x12b: {  	s3 =	rddreg [dreg:$0x2];
	[bflag:$0x3] =	sbarrier.arrive $0xFFFF;
	s2 =	simm.s32 @!p0 $0x1C04  }
0x12c: {  	[timem:s3], [sflag:s2] =	dma.local @!p0 [hbm:s0], s1  }
0x12d: {  	s0 =	simm.s32 @!p0 $0x4  }
0x12e: {  	_ =	swait.ge @!p0 [sflag:s0], s1  }
0x12f: {  	s1 =	ssub.s32 @!p0 $0x0, s1;
	[sflag:s0] =	ssyncset.done @!p0 $0x0  }
0x130: {  	[sflag:s0] =	ssyncadd.s32 @!p0 s1  }
0x131: {  	[bflag:$0x3] =	sbarrier.arrive $0xFFFF  }
0x132: {  	_ =	shalt  }

</sc_bundles>
